<compile_context>
chip_gen: v7x
topology: tpu7x:2x2x1
jax: 0.10.2.dev20260603
libtpu: 0.0.44.dev20260713+nightly
codegen_flags: <defaults>
</compile_context>

<pallas_src>
import functools

import jax
import jax.numpy as jnp
from jax import lax
from jax.experimental import pallas as pl
from jax.experimental.pallas import tpu as pltpu
from jax.experimental.pallas import tpu_sc as plsc

_N = 10000
_E = 320000
_D = 128
_H = 128
_C = 40

_NW = 32
_CHUNK = 256
_NCHUNK = _E // _CHUNK
_BASE = _NCHUNK // _NW
_XTRA = _NCHUNK - _NW * _BASE
_CPW = _BASE + 1
_N_PAD = 10112
_NF = _N * _C // 128
_NPF = _N_PAD * _C // 128
_RPT = _N_PAD // 16
_NB = 8
_NS = 3


def _proj_body(feat_ref, norm_ref, w1_ref, w2_ref, b1_ref, out_ref, b12_ref):
    w12 = jnp.dot(w1_ref[...], w2_ref[...], preferred_element_type=jnp.float32)
    h = feat_ref[...] * norm_ref[...]
    out_ref[...] = jnp.dot(h, w12, preferred_element_type=jnp.float32)
    b12_ref[...] = jnp.dot(b1_ref[...], w2_ref[...], preferred_element_type=jnp.float32)


def _mid_body(p_ref, nn_ref, nb_ref, out_ref):
    out_ref[...] = (p_ref[0] + p_ref[1]) * nn_ref[...] + nb_ref[...]


def _fin_body(p_ref, nf_ref, b2_ref, out_ref):
    a = p_ref[0, :_NF, :] + p_ref[1, :_NF, :]
    out_ref[...] = a * nf_ref[...] + b2_ref[...]


def _seg_body(table, eidx, zeros, out, src_v, dst_v, rows_v, acc, sem, sem2):
    c = lax.axis_index("c")
    s = lax.axis_index("s")
    wid = s * 2 + c
    r0 = s * _RPT
    start = wid * _BASE + lax.max(wid - (_NW - _XTRA), 0)
    cnt = _BASE + jnp.where(wid >= _NW - _XTRA, 1, 0)
    pltpu.sync_copy(zeros.at[pl.ds(r0, _RPT)], acc.at[pl.ds(r0, _RPT)])
    pltpu.sync_copy(eidx.at[0, pl.ds(start, _CPW)], src_v)
    pltpu.sync_copy(eidx.at[1, pl.ds(start, _CPW)], dst_v)
    plsc.subcore_barrier()

    for b in range(_NB - _NS):
        pltpu.async_copy(table.at[src_v.at[b]], rows_v.at[b], sem)

    def body(j, carry):
        b = lax.rem(j, _NB)
        pltpu.make_async_copy(table.at[src_v.at[j]], rows_v.at[b], sem).wait()
        pltpu.async_copy(rows_v.at[b], acc.at[dst_v.at[j]], sem2, add=True)

        @pl.when(j >= _NS)
        def _():
            pltpu.make_async_copy(rows_v.at[b], acc.at[dst_v.at[j]], sem2).wait()

        @pl.when(j + _NB - _NS < cnt)
        def _():
            g = j + _NB - _NS
            pltpu.async_copy(table.at[src_v.at[g]], rows_v.at[lax.rem(g, _NB)], sem)

        return carry

    lax.fori_loop(0, cnt, body, 0)
    for _ in range(_NS):
        pltpu.make_async_copy(rows_v.at[0], acc.at[dst_v.at[0]], sem2).wait()
    plsc.subcore_barrier()
    pltpu.sync_copy(acc.at[pl.ds(r0, _RPT)], out.at[c, pl.ds(r0, _RPT)])


_seg_call = pl.kernel(
    _seg_body,
    out_type=jax.ShapeDtypeStruct((2, _N_PAD, _C), jnp.float32),
    mesh=plsc.VectorSubcoreMesh(core_axis_name="c", subcore_axis_name="s"),
    scratch_types=[
        pltpu.VMEM((_CPW, _CHUNK), jnp.int32),
        pltpu.VMEM((_CPW, _CHUNK), jnp.int32),
        pltpu.VMEM((_NB, _CHUNK, _C), jnp.float32),
        pltpu.VMEM_SHARED((_N_PAD, _C), jnp.float32),
        pltpu.SemaphoreType.DMA,
        pltpu.SemaphoreType.DMA,
    ],
    compiler_params=pltpu.CompilerParams(use_tc_tiling_on_sc=False),
)


def kernel(features, norm, edge_index, W1, b1, W2, b2):
    eidx3 = edge_index.reshape(2, _NCHUNK, _CHUNK)
    zeros = jnp.zeros((_N_PAD, _C), jnp.float32)
    b1r = b1.reshape(1, _H)

    f, b12 = pl.pallas_call(
        _proj_body,
        out_shape=[
            jax.ShapeDtypeStruct((_N, _C), jnp.float32),
            jax.ShapeDtypeStruct((8, _C), jnp.float32),
        ],
    )(features, norm, W1, W2, jnp.broadcast_to(b1r, (8, _H)))

    p1 = _seg_call(f, eidx3, zeros)

    norm_p = jnp.pad(norm, ((0, _N_PAD - _N), (0, 0)))
    nn_flat = jnp.broadcast_to(norm_p * norm_p, (_N_PAD, _C)).reshape(_NPF, 128)
    nb_flat = (norm_p * b12[0:1, :]).reshape(_NPF, 128)
    nf_flat = jnp.broadcast_to(norm, (_N, _C)).reshape(_NF, 128)
    b2_flat = jnp.broadcast_to(b2.reshape(1, _C), (_N, _C)).reshape(_NF, 128)

    g_flat = pl.pallas_call(
        _mid_body,
        out_shape=jax.ShapeDtypeStruct((_NPF, 128), jnp.float32),
    )(p1.reshape(2, _NPF, 128), nn_flat, nb_flat)

    p2 = _seg_call(g_flat.reshape(_N_PAD, _C), eidx3, zeros)

    out_flat = pl.pallas_call(
        _fin_body,
        out_shape=jax.ShapeDtypeStruct((_NF, 128), jnp.float32),
    )(p2.reshape(2, _NPF, 128), nf_flat, b2_flat)

    return out_flat.reshape(_N, _C)

# --- scband reference (transcript-rebuilt; emitter-appended) ---
"""Pipeline reference for scband-gcn-19679540150348 (READ-ONLY COPY).

The authoritative reference and input builder live on the scoring server;
editing this copy changes nothing except your own understanding.
"""

import jax, jax.numpy as jnp
import numpy as np

N = 10000
E = 320000
D = 128
H = 128
C = 40


def setup_inputs(seed: int = 0) -> dict:
    key = jax.random.key(seed)
    ks = jax.random.split(key, 6)
    features = jax.random.normal(ks[0], (N, D), dtype=jnp.float32)
    norm = jax.random.uniform(ks[1], (N, 1), dtype=jnp.float32)
    edge_index = jax.random.randint(ks[2], (2, E), 0, N, dtype=jnp.int32)
    W1 = jax.random.normal(ks[3], (D, H), dtype=jnp.float32) * 0.05
    b1 = jnp.zeros((H,), dtype=jnp.float32)
    W2 = jax.random.normal(ks[4], (H, C), dtype=jnp.float32) * 0.05
    b2 = jnp.zeros((C,), dtype=jnp.float32)
    return {"features": features, "norm": norm, "edge_index": edge_index,
            "W1": W1, "b1": b1, "W2": W2, "b2": b2}


def reference(features, norm, edge_index, W1, b1, W2, b2):
    # GCN forward per original DGL module:
    # per layer: h = h * norm; aggregate sum of src h over edges to dst;
    # NodeApplyModule: h = h_agg * norm; Linear; activation=None; dropout=0.0
    src = edge_index[0]
    dst = edge_index[1]
    h = features
    # layer 0 (in_feats -> n_hidden)
    h = h * norm
    agg = jax.ops.segment_sum(h[src], dst, num_segments=N)
    h = agg * norm
    h = h @ W1 + b1
    # layer 1 (n_hidden -> n_classes); dropout=0.0 so no-op
    h = h * norm
    agg = jax.ops.segment_sum(h[src], dst, num_segments=N)
    h = agg * norm
    h = h @ W2 + b2
    return h

if __name__ == "__main__":
    import jax
    _d = setup_inputs()
    print(jax.jit(kernel)(*tuple(_d.values())))

</pallas_src>

<mosaic_0001>
#map = affine_map<(d0, d1) -> (0, 0)>
#map1 = affine_map<(d0, d1) -> (0, 0, 0)>
module attributes {stable_mosaic.version = 14 : i64} {
  func.func @_seg_body(%arg0: i32, %arg1: i32, %arg2: memref<10000x40xf32, #tpu.memory_space<hbm>>, %arg3: memref<2x1250x256xi32, #tpu.memory_space<hbm>>, %arg4: memref<10112x40xf32, #tpu.memory_space<hbm>>, %arg5: memref<2x10112x40xf32, #tpu.memory_space<hbm>>, %arg6: memref<40x256xi32, #tpu.memory_space<vmem>>, %arg7: memref<40x256xi32, #tpu.memory_space<vmem>>, %arg8: memref<8x256x40xf32, #tpu.memory_space<vmem>>, %arg9: memref<10112x40xf32, #tpu.memory_space<vmem_shared>>, %arg10: memref<!tpu.dma_semaphore, #tpu.memory_space<semaphore_mem>>, %arg11: memref<!tpu.dma_semaphore, #tpu.memory_space<semaphore_mem>>) attributes {dimension_semantics = [#tpu.dimension_semantics<core_parallel>, #tpu.dimension_semantics<subcore_parallel>], iteration_bounds = array<i64: 2, 16>, scalar_prefetch = 0 : i64, scratch_operands = 6 : i64, tpu.core_type = #tpu.core_type<sc_vector_subcore>, window_params = [{transform_indices = #map}, {transform_indices = #map1}, {transform_indices = #map}, {transform_indices = #map1}]} {
    %mul3A = arith.constant 2 : i32
    %mul3A_0 = arith.muli %arg1, %mul3A : i32
    %add3A = arith.addi %mul3A_0, %arg0 : i32
    %mul3A_1 = arith.constant 632 : i32
    %mul3A_2 = arith.muli %arg1, %mul3A_1 : i32
    %mul3A_3 = arith.constant 39 : i32
    %mul3A_4 = arith.muli %add3A, %mul3A_3 : i32
    %sub3A = arith.constant 30 : i32
    %sub3A_5 = arith.subi %add3A, %sub3A : i32
    %max3A = arith.constant 0 : i32
    %max3A_6 = arith.maxsi %sub3A_5, %max3A : i32
    %add3A_7 = arith.addi %mul3A_4, %max3A_6 : i32
    %ge3A = arith.constant 30 : i32
    %ge3A_8 = arith.cmpi sge, %add3A, %ge3A : i32
    %jit3A = arith.constant 1 : i32
    %jit3A_9 = arith.constant 0 : i32
    %select_n3A = arith.select %ge3A_8, %jit3A, %jit3A_9 : i32
    %add3A_10 = arith.constant 39 : i32
    %add3A_11 = arith.addi %add3A_10, %select_n3A : i32
    "tpu.region"() ({
      %run_scoped3A_117 = tpu.sem_alloc : memref<!tpu.dma_semaphore, #tpu.memory_space<semaphore_mem>>
      %dma_start3A_118 = arith.constant 0 : i32
      %dma_start3A_119 = tpu.memref_slice %arg9[%mul3A_2, %dma_start3A_118] : memref<10112x40xf32, #tpu.memory_space<vmem_shared>> -> memref<632x40xf32, #tpu.memory_space<vmem_shared>>
      %dma_start3A_120 = arith.constant 0 : i32
      %dma_start3A_121 = tpu.memref_slice %arg4[%mul3A_2, %dma_start3A_120] : memref<10112x40xf32, #tpu.memory_space<hbm>> -> memref<632x40xf32, #tpu.memory_space<hbm>>
      tpu.enqueue_dma source(%dma_start3A_121 : memref<632x40xf32, #tpu.memory_space<hbm>>) target(%dma_start3A_119 : memref<632x40xf32, #tpu.memory_space<vmem_shared>>) target_semaphore(%run_scoped3A_117 : memref<!tpu.dma_semaphore, #tpu.memory_space<semaphore_mem>>)
      %dma_wait3A_122 = arith.constant 0 : i32
      %dma_wait3A_123 = tpu.memref_slice %arg9[%mul3A_2, %dma_wait3A_122] : memref<10112x40xf32, #tpu.memory_space<vmem_shared>> -> memref<632x40xf32, #tpu.memory_space<vmem_shared>>
      %dma_wait3A_124 = arith.constant 0 : i32
      %dma_wait3A_125 = tpu.memref_slice %arg4[%mul3A_2, %dma_wait3A_124] : memref<10112x40xf32, #tpu.memory_space<hbm>> -> memref<632x40xf32, #tpu.memory_space<hbm>>
      tpu.wait_dma2 semaphore(%run_scoped3A_117 : memref<!tpu.dma_semaphore, #tpu.memory_space<semaphore_mem>>) src(%dma_wait3A_125 : memref<632x40xf32, #tpu.memory_space<hbm>>) dst(%dma_wait3A_123 : memref<632x40xf32, #tpu.memory_space<vmem_shared>>)
      tpu.yield
    }) : () -> ()
    %run_scoped3A = arith.constant 0 : i32
    "tpu.region"() ({
      %run_scoped3A_117 = tpu.sem_alloc : memref<!tpu.dma_semaphore, #tpu.memory_space<semaphore_mem>>
      %dma_start3A_118 = arith.constant 0 : i32
      %dma_start3A_119 = tpu.memref_slice %arg3[%run_scoped3A, %add3A_7, %dma_start3A_118] : memref<2x1250x256xi32, #tpu.memory_space<hbm>> -> memref<1x40x256xi32, #tpu.memory_space<hbm>>
      %dma_start3A_120 = tpu.memref_squeeze %dma_start3A_119 : memref<1x40x256xi32, #tpu.memory_space<hbm>> -> memref<40x256xi32, #tpu.memory_space<hbm>>
      %dma_start3A_121 = arith.constant 0 : i32
      %dma_start3A_122 = tpu.memref_slice %arg3[%run_scoped3A, %add3A_7, %dma_start3A_121] : memref<2x1250x256xi32, #tpu.memory_space<hbm>> -> memref<1x40x256xi32, #tpu.memory_space<hbm>>
      %dma_start3A_123 = tpu.memref_squeeze %dma_start3A_122 : memref<1x40x256xi32, #tpu.memory_space<hbm>> -> memref<40x256xi32, #tpu.memory_space<hbm>>
      tpu.enqueue_dma source(%dma_start3A_123 : memref<40x256xi32, #tpu.memory_space<hbm>>) target(%arg6 : memref<40x256xi32, #tpu.memory_space<vmem>>) target_semaphore(%run_scoped3A_117 : memref<!tpu.dma_semaphore, #tpu.memory_space<semaphore_mem>>)
      %dma_wait3A_124 = arith.constant 0 : i32
      %dma_wait3A_125 = tpu.memref_slice %arg3[%run_scoped3A, %add3A_7, %dma_wait3A_124] : memref<2x1250x256xi32, #tpu.memory_space<hbm>> -> memref<1x40x256xi32, #tpu.memory_space<hbm>>
      %dma_wait3A_126 = tpu.memref_squeeze %dma_wait3A_125 : memref<1x40x256xi32, #tpu.memory_space<hbm>> -> memref<40x256xi32, #tpu.memory_space<hbm>>
      %dma_wait3A_127 = arith.constant 0 : i32
      %dma_wait3A_128 = tpu.memref_slice %arg3[%run_scoped3A, %add3A_7, %dma_wait3A_127] : memref<2x1250x256xi32, #tpu.memory_space<hbm>> -> memref<1x40x256xi32, #tpu.memory_space<hbm>>
      %dma_wait3A_129 = tpu.memref_squeeze %dma_wait3A_128 : memref<1x40x256xi32, #tpu.memory_space<hbm>> -> memref<40x256xi32, #tpu.memory_space<hbm>>
      tpu.wait_dma2 semaphore(%run_scoped3A_117 : memref<!tpu.dma_semaphore, #tpu.memory_space<semaphore_mem>>) src(%dma_wait3A_129 : memref<40x256xi32, #tpu.memory_space<hbm>>) dst(%arg6 : memref<40x256xi32, #tpu.memory_space<vmem>>)
      tpu.yield
    }) : () -> ()
    %run_scoped3A_12 = arith.constant 1 : i32
    "tpu.region"() ({
      %run_scoped3A_117 = tpu.sem_alloc : memref<!tpu.dma_semaphore, #tpu.memory_space<semaphore_mem>>
      %dma_start3A_118 = arith.constant 0 : i32
      %dma_start3A_119 = tpu.memref_slice %arg3[%run_scoped3A_12, %add3A_7, %dma_start3A_118] : memref<2x1250x256xi32, #tpu.memory_space<hbm>> -> memref<1x40x256xi32, #tpu.memory_space<hbm>>
      %dma_start3A_120 = tpu.memref_squeeze %dma_start3A_119 : memref<1x40x256xi32, #tpu.memory_space<hbm>> -> memref<40x256xi32, #tpu.memory_space<hbm>>
      %dma_start3A_121 = arith.constant 0 : i32
      %dma_start3A_122 = tpu.memref_slice %arg3[%run_scoped3A_12, %add3A_7, %dma_start3A_121] : memref<2x1250x256xi32, #tpu.memory_space<hbm>> -> memref<1x40x256xi32, #tpu.memory_space<hbm>>
      %dma_start3A_123 = tpu.memref_squeeze %dma_start3A_122 : memref<1x40x256xi32, #tpu.memory_space<hbm>> -> memref<40x256xi32, #tpu.memory_space<hbm>>
      tpu.enqueue_dma source(%dma_start3A_123 : memref<40x256xi32, #tpu.memory_space<hbm>>) target(%arg7 : memref<40x256xi32, #tpu.memory_space<vmem>>) target_semaphore(%run_scoped3A_117 : memref<!tpu.dma_semaphore, #tpu.memory_space<semaphore_mem>>)
      %dma_wait3A_124 = arith.constant 0 : i32
      %dma_wait3A_125 = tpu.memref_slice %arg3[%run_scoped3A_12, %add3A_7, %dma_wait3A_124] : memref<2x1250x256xi32, #tpu.memory_space<hbm>> -> memref<1x40x256xi32, #tpu.memory_space<hbm>>
      %dma_wait3A_126 = tpu.memref_squeeze %dma_wait3A_125 : memref<1x40x256xi32, #tpu.memory_space<hbm>> -> memref<40x256xi32, #tpu.memory_space<hbm>>
      %dma_wait3A_127 = arith.constant 0 : i32
      %dma_wait3A_128 = tpu.memref_slice %arg3[%run_scoped3A_12, %add3A_7, %dma_wait3A_127] : memref<2x1250x256xi32, #tpu.memory_space<hbm>> -> memref<1x40x256xi32, #tpu.memory_space<hbm>>
      %dma_wait3A_129 = tpu.memref_squeeze %dma_wait3A_128 : memref<1x40x256xi32, #tpu.memory_space<hbm>> -> memref<40x256xi32, #tpu.memory_space<hbm>>
      tpu.wait_dma2 semaphore(%run_scoped3A_117 : memref<!tpu.dma_semaphore, #tpu.memory_space<semaphore_mem>>) src(%dma_wait3A_129 : memref<40x256xi32, #tpu.memory_space<hbm>>) dst(%arg7 : memref<40x256xi32, #tpu.memory_space<vmem>>)
      tpu.yield
    }) : () -> ()
    %barrier3A = arith.constant 0 : index
    tpu.barrier barrier_id(%barrier3A)
    %dma_start3A = arith.constant 0 : i32
    %dma_start3A_13 = arith.constant 0 : i32
    %dma_start3A_14 = arith.constant 0 : i32
    %dma_start3A_15 = arith.constant 0 : i32
    %dma_start3A_16 = tpu.memref_slice %arg8[%dma_start3A_13, %dma_start3A_14, %dma_start3A_15] : memref<8x256x40xf32, #tpu.memory_space<vmem>> -> memref<1x256x40xf32, #tpu.memory_space<vmem>>
    %dma_start3A_17 = tpu.memref_squeeze %dma_start3A_16 : memref<1x256x40xf32, #tpu.memory_space<vmem>> -> memref<256x40xf32, #tpu.memory_space<vmem>>
    %dma_start3A_18 = arith.constant 0 : i32
    %dma_start3A_19 = tpu.memref_slice %arg6[%dma_start3A, %dma_start3A_18] : memref<40x256xi32, #tpu.memory_space<vmem>> -> memref<1x256xi32, #tpu.memory_space<vmem>>
    %dma_start3A_20 = tpu.memref_squeeze %dma_start3A_19 : memref<1x256xi32, #tpu.memory_space<vmem>> -> memref<256xi32, #tpu.memory_space<vmem>>
    %dma_start3A_21 = arith.constant 0 : i32
    %dma_start3A_22 = arith.constant 0 : i32
    %dma_start3A_23 = tpu.memref_slice %arg2[%dma_start3A_21, %dma_start3A_22] : memref<10000x40xf32, #tpu.memory_space<hbm>> -> memref<10000x40xf32, #tpu.memory_space<hbm>>
    tpu.enqueue_indirect_dma source(%dma_start3A_23 : memref<10000x40xf32, #tpu.memory_space<hbm>>) target(%dma_start3A_17 : memref<256x40xf32, #tpu.memory_space<vmem>>) offsets(%dma_start3A_20 : memref<256xi32, #tpu.memory_space<vmem>>) semaphore(%arg10 : memref<!tpu.dma_semaphore, #tpu.memory_space<semaphore_mem>>)
    %dma_start3A_24 = arith.constant 1 : i32
    %dma_start3A_25 = arith.constant 1 : i32
    %dma_start3A_26 = arith.constant 0 : i32
    %dma_start3A_27 = arith.constant 0 : i32
    %dma_start3A_28 = tpu.memref_slice %arg8[%dma_start3A_25, %dma_start3A_26, %dma_start3A_27] : memref<8x256x40xf32, #tpu.memory_space<vmem>> -> memref<1x256x40xf32, #tpu.memory_space<vmem>>
    %dma_start3A_29 = tpu.memref_squeeze %dma_start3A_28 : memref<1x256x40xf32, #tpu.memory_space<vmem>> -> memref<256x40xf32, #tpu.memory_space<vmem>>
    %dma_start3A_30 = arith.constant 0 : i32
    %dma_start3A_31 = tpu.memref_slice %arg6[%dma_start3A_24, %dma_start3A_30] : memref<40x256xi32, #tpu.memory_space<vmem>> -> memref<1x256xi32, #tpu.memory_space<vmem>>
    %dma_start3A_32 = tpu.memref_squeeze %dma_start3A_31 : memref<1x256xi32, #tpu.memory_space<vmem>> -> memref<256xi32, #tpu.memory_space<vmem>>
    %dma_start3A_33 = arith.constant 0 : i32
    %dma_start3A_34 = arith.constant 0 : i32
    %dma_start3A_35 = tpu.memref_slice %arg2[%dma_start3A_33, %dma_start3A_34] : memref<10000x40xf32, #tpu.memory_space<hbm>> -> memref<10000x40xf32, #tpu.memory_space<hbm>>
    tpu.enqueue_indirect_dma source(%dma_start3A_35 : memref<10000x40xf32, #tpu.memory_space<hbm>>) target(%dma_start3A_29 : memref<256x40xf32, #tpu.memory_space<vmem>>) offsets(%dma_start3A_32 : memref<256xi32, #tpu.memory_space<vmem>>) semaphore(%arg10 : memref<!tpu.dma_semaphore, #tpu.memory_space<semaphore_mem>>)
    %dma_start3A_36 = arith.constant 2 : i32
    %dma_start3A_37 = arith.constant 2 : i32
    %dma_start3A_38 = arith.constant 0 : i32
    %dma_start3A_39 = arith.constant 0 : i32
    %dma_start3A_40 = tpu.memref_slice %arg8[%dma_start3A_37, %dma_start3A_38, %dma_start3A_39] : memref<8x256x40xf32, #tpu.memory_space<vmem>> -> memref<1x256x40xf32, #tpu.memory_space<vmem>>
    %dma_start3A_41 = tpu.memref_squeeze %dma_start3A_40 : memref<1x256x40xf32, #tpu.memory_space<vmem>> -> memref<256x40xf32, #tpu.memory_space<vmem>>
    %dma_start3A_42 = arith.constant 0 : i32
    %dma_start3A_43 = tpu.memref_slice %arg6[%dma_start3A_36, %dma_start3A_42] : memref<40x256xi32, #tpu.memory_space<vmem>> -> memref<1x256xi32, #tpu.memory_space<vmem>>
    %dma_start3A_44 = tpu.memref_squeeze %dma_start3A_43 : memref<1x256xi32, #tpu.memory_space<vmem>> -> memref<256xi32, #tpu.memory_space<vmem>>
    %dma_start3A_45 = arith.constant 0 : i32
    %dma_start3A_46 = arith.constant 0 : i32
    %dma_start3A_47 = tpu.memref_slice %arg2[%dma_start3A_45, %dma_start3A_46] : memref<10000x40xf32, #tpu.memory_space<hbm>> -> memref<10000x40xf32, #tpu.memory_space<hbm>>
    tpu.enqueue_indirect_dma source(%dma_start3A_47 : memref<10000x40xf32, #tpu.memory_space<hbm>>) target(%dma_start3A_41 : memref<256x40xf32, #tpu.memory_space<vmem>>) offsets(%dma_start3A_44 : memref<256xi32, #tpu.memory_space<vmem>>) semaphore(%arg10 : memref<!tpu.dma_semaphore, #tpu.memory_space<semaphore_mem>>)
    %dma_start3A_48 = arith.constant 3 : i32
    %dma_start3A_49 = arith.constant 3 : i32
    %dma_start3A_50 = arith.constant 0 : i32
    %dma_start3A_51 = arith.constant 0 : i32
    %dma_start3A_52 = tpu.memref_slice %arg8[%dma_start3A_49, %dma_start3A_50, %dma_start3A_51] : memref<8x256x40xf32, #tpu.memory_space<vmem>> -> memref<1x256x40xf32, #tpu.memory_space<vmem>>
    %dma_start3A_53 = tpu.memref_squeeze %dma_start3A_52 : memref<1x256x40xf32, #tpu.memory_space<vmem>> -> memref<256x40xf32, #tpu.memory_space<vmem>>
    %dma_start3A_54 = arith.constant 0 : i32
    %dma_start3A_55 = tpu.memref_slice %arg6[%dma_start3A_48, %dma_start3A_54] : memref<40x256xi32, #tpu.memory_space<vmem>> -> memref<1x256xi32, #tpu.memory_space<vmem>>
    %dma_start3A_56 = tpu.memref_squeeze %dma_start3A_55 : memref<1x256xi32, #tpu.memory_space<vmem>> -> memref<256xi32, #tpu.memory_space<vmem>>
    %dma_start3A_57 = arith.constant 0 : i32
    %dma_start3A_58 = arith.constant 0 : i32
    %dma_start3A_59 = tpu.memref_slice %arg2[%dma_start3A_57, %dma_start3A_58] : memref<10000x40xf32, #tpu.memory_space<hbm>> -> memref<10000x40xf32, #tpu.memory_space<hbm>>
    tpu.enqueue_indirect_dma source(%dma_start3A_59 : memref<10000x40xf32, #tpu.memory_space<hbm>>) target(%dma_start3A_53 : memref<256x40xf32, #tpu.memory_space<vmem>>) offsets(%dma_start3A_56 : memref<256xi32, #tpu.memory_space<vmem>>) semaphore(%arg10 : memref<!tpu.dma_semaphore, #tpu.memory_space<semaphore_mem>>)
    %dma_start3A_60 = arith.constant 4 : i32
    %dma_start3A_61 = arith.constant 4 : i32
    %dma_start3A_62 = arith.constant 0 : i32
    %dma_start3A_63 = arith.constant 0 : i32
    %dma_start3A_64 = tpu.memref_slice %arg8[%dma_start3A_61, %dma_start3A_62, %dma_start3A_63] : memref<8x256x40xf32, #tpu.memory_space<vmem>> -> memref<1x256x40xf32, #tpu.memory_space<vmem>>
    %dma_start3A_65 = tpu.memref_squeeze %dma_start3A_64 : memref<1x256x40xf32, #tpu.memory_space<vmem>> -> memref<256x40xf32, #tpu.memory_space<vmem>>
    %dma_start3A_66 = arith.constant 0 : i32
    %dma_start3A_67 = tpu.memref_slice %arg6[%dma_start3A_60, %dma_start3A_66] : memref<40x256xi32, #tpu.memory_space<vmem>> -> memref<1x256xi32, #tpu.memory_space<vmem>>
    %dma_start3A_68 = tpu.memref_squeeze %dma_start3A_67 : memref<1x256xi32, #tpu.memory_space<vmem>> -> memref<256xi32, #tpu.memory_space<vmem>>
    %dma_start3A_69 = arith.constant 0 : i32
    %dma_start3A_70 = arith.constant 0 : i32
    %dma_start3A_71 = tpu.memref_slice %arg2[%dma_start3A_69, %dma_start3A_70] : memref<10000x40xf32, #tpu.memory_space<hbm>> -> memref<10000x40xf32, #tpu.memory_space<hbm>>
    tpu.enqueue_indirect_dma source(%dma_start3A_71 : memref<10000x40xf32, #tpu.memory_space<hbm>>) target(%dma_start3A_65 : memref<256x40xf32, #tpu.memory_space<vmem>>) offsets(%dma_start3A_68 : memref<256xi32, #tpu.memory_space<vmem>>) semaphore(%arg10 : memref<!tpu.dma_semaphore, #tpu.memory_space<semaphore_mem>>)
    %while3A = arith.constant 0 : i32
    %while3A_72 = arith.constant 0 : i32
    %while3A_73 = arith.subi %add3A_11, %while3A_72 : i32
    %while3A_74 = arith.addi %while3A_72, %while3A_73 : i32
    %while3A_75 = arith.constant 1 : i32
    %while3A_76 = arith.divsi %while3A_73, %while3A_75 : i32
    %while3A_77 = arith.muli %while3A_76, %while3A_75 : i32
    %while3A_78 = arith.addi %while3A_72, %while3A_77 : i32
    %while3A_79 = arith.constant 1 : i32
    scf.for %while3A_117 = %while3A_72 to %while3A_78 step %while3A_79  : i32 {
      %rem3A = arith.constant 8 : i32
      %rem3A_118 = arith.remsi %while3A_117, %rem3A : i32
      %dma_wait3A_119 = arith.constant 0 : i32
      %dma_wait3A_120 = arith.constant 0 : i32
      %dma_wait3A_121 = tpu.memref_slice %arg8[%rem3A_118, %dma_wait3A_119, %dma_wait3A_120] : memref<8x256x40xf32, #tpu.memory_space<vmem>> -> memref<1x256x40xf32, #tpu.memory_space<vmem>>
      %dma_wait3A_122 = tpu.memref_squeeze %dma_wait3A_121 : memref<1x256x40xf32, #tpu.memory_space<vmem>> -> memref<256x40xf32, #tpu.memory_space<vmem>>
      %dma_wait3A_123 = arith.constant 0 : i32
      %dma_wait3A_124 = tpu.memref_slice %arg6[%while3A_117, %dma_wait3A_123] : memref<40x256xi32, #tpu.memory_space<vmem>> -> memref<1x256xi32, #tpu.memory_space<vmem>>
      %dma_wait3A_125 = tpu.memref_squeeze %dma_wait3A_124 : memref<1x256xi32, #tpu.memory_space<vmem>> -> memref<256xi32, #tpu.memory_space<vmem>>
      %dma_wait3A_126 = arith.constant 0 : i32
      %dma_wait3A_127 = arith.constant 0 : i32
      %dma_wait3A_128 = tpu.memref_slice %arg2[%dma_wait3A_126, %dma_wait3A_127] : memref<10000x40xf32, #tpu.memory_space<hbm>> -> memref<10000x40xf32, #tpu.memory_space<hbm>>
      tpu.wait_indirect_dma semaphore(%arg10 : memref<!tpu.dma_semaphore, #tpu.memory_space<semaphore_mem>>) src(%dma_wait3A_128 : memref<10000x40xf32, #tpu.memory_space<hbm>>) dst(%dma_wait3A_122 : memref<256x40xf32, #tpu.memory_space<vmem>>)
      %dma_start3A_129 = arith.constant 0 : i32
      %dma_start3A_130 = arith.constant 0 : i32
      %dma_start3A_131 = tpu.memref_slice %arg8[%rem3A_118, %dma_start3A_129, %dma_start3A_130] : memref<8x256x40xf32, #tpu.memory_space<vmem>> -> memref<1x256x40xf32, #tpu.memory_space<vmem>>
      %dma_start3A_132 = tpu.memref_squeeze %dma_start3A_131 : memref<1x256x40xf32, #tpu.memory_space<vmem>> -> memref<256x40xf32, #tpu.memory_space<vmem>>
      %dma_start3A_133 = arith.constant 0 : i32
      %dma_start3A_134 = tpu.memref_slice %arg7[%while3A_117, %dma_start3A_133] : memref<40x256xi32, #tpu.memory_space<vmem>> -> memref<1x256xi32, #tpu.memory_space<vmem>>
      %dma_start3A_135 = tpu.memref_squeeze %dma_start3A_134 : memref<1x256xi32, #tpu.memory_space<vmem>> -> memref<256xi32, #tpu.memory_space<vmem>>
      %dma_start3A_136 = arith.constant 0 : i32
      %dma_start3A_137 = arith.constant 0 : i32
      %dma_start3A_138 = tpu.memref_slice %arg9[%dma_start3A_136, %dma_start3A_137] : memref<10112x40xf32, #tpu.memory_space<vmem_shared>> -> memref<10112x40xf32, #tpu.memory_space<vmem_shared>>
      tpu.enqueue_indirect_dma source(%dma_start3A_132 : memref<256x40xf32, #tpu.memory_space<vmem>>) target(%dma_start3A_138 : memref<10112x40xf32, #tpu.memory_space<vmem_shared>>) offsets(%dma_start3A_135 : memref<256xi32, #tpu.memory_space<vmem>>) semaphore(%arg11 : memref<!tpu.dma_semaphore, #tpu.memory_space<semaphore_mem>>) {add = true}
      %ge3A_139 = arith.constant 3 : i32
      %ge3A_140 = arith.cmpi sge, %while3A_117, %ge3A_139 : i32
      %convert_element_type3A = arith.extui %ge3A_140 : i1 to i32
      %cond3A = arith.constant 0 : i32
      %cond3A_141 = arith.cmpi ne, %convert_element_type3A, %cond3A : i32
      scf.if %cond3A_141 {
        %dma_wait3A_149 = arith.constant 0 : i32
        %dma_wait3A_150 = arith.constant 0 : i32
        %dma_wait3A_151 = tpu.memref_slice %arg8[%rem3A_118, %dma_wait3A_149, %dma_wait3A_150] : memref<8x256x40xf32, #tpu.memory_space<vmem>> -> memref<1x256x40xf32, #tpu.memory_space<vmem>>
        %dma_wait3A_152 = tpu.memref_squeeze %dma_wait3A_151 : memref<1x256x40xf32, #tpu.memory_space<vmem>> -> memref<256x40xf32, #tpu.memory_space<vmem>>
        %dma_wait3A_153 = arith.constant 0 : i32
        %dma_wait3A_154 = tpu.memref_slice %arg7[%while3A_117, %dma_wait3A_153] : memref<40x256xi32, #tpu.memory_space<vmem>> -> memref<1x256xi32, #tpu.memory_space<vmem>>
        %dma_wait3A_155 = tpu.memref_squeeze %dma_wait3A_154 : memref<1x256xi32, #tpu.memory_space<vmem>> -> memref<256xi32, #tpu.memory_space<vmem>>
        %dma_wait3A_156 = arith.constant 0 : i32
        %dma_wait3A_157 = arith.constant 0 : i32
        %dma_wait3A_158 = tpu.memref_slice %arg9[%dma_wait3A_156, %dma_wait3A_157] : memref<10112x40xf32, #tpu.memory_space<vmem_shared>> -> memref<10112x40xf32, #tpu.memory_space<vmem_shared>>
        tpu.wait_indirect_dma semaphore(%arg11 : memref<!tpu.dma_semaphore, #tpu.memory_space<semaphore_mem>>) src(%dma_wait3A_152 : memref<256x40xf32, #tpu.memory_space<vmem>>) dst(%dma_wait3A_158 : memref<10112x40xf32, #tpu.memory_space<vmem_shared>>)
      } else {
      }
      %add3A_142 = arith.constant 8 : i32
      %add3A_143 = arith.addi %while3A_117, %add3A_142 : i32
      %sub3A_144 = arith.constant 3 : i32
      %sub3A_145 = arith.subi %add3A_143, %sub3A_144 : i32
      %lt3A = arith.cmpi slt, %sub3A_145, %add3A_11 : i32
      %convert_element_type3A_146 = arith.extui %lt3A : i1 to i32
      %cond3A_147 = arith.constant 0 : i32
      %cond3A_148 = arith.cmpi ne, %convert_element_type3A_146, %cond3A_147 : i32
      scf.if %cond3A_148 {
        %add3A_149 = arith.constant 8 : i32
        %add3A_150 = arith.addi %while3A_117, %add3A_149 : i32
        %sub3A_151 = arith.constant 3 : i32
        %sub3A_152 = arith.subi %add3A_150, %sub3A_151 : i32
        %rem3A_153 = arith.constant 8 : i32
        %rem3A_154 = arith.remsi %sub3A_152, %rem3A_153 : i32
        %dma_start3A_155 = arith.constant 0 : i32
        %dma_start3A_156 = arith.constant 0 : i32
        %dma_start3A_157 = tpu.memref_slice %arg8[%rem3A_154, %dma_start3A_155, %dma_start3A_156] : memref<8x256x40xf32, #tpu.memory_space<vmem>> -> memref<1x256x40xf32, #tpu.memory_space<vmem>>
        %dma_start3A_158 = tpu.memref_squeeze %dma_start3A_157 : memref<1x256x40xf32, #tpu.memory_space<vmem>> -> memref<256x40xf32, #tpu.memory_space<vmem>>
        %dma_start3A_159 = arith.constant 0 : i32
        %dma_start3A_160 = tpu.memref_slice %arg6[%sub3A_152, %dma_start3A_159] : memref<40x256xi32, #tpu.memory_space<vmem>> -> memref<1x256xi32, #tpu.memory_space<vmem>>
        %dma_start3A_161 = tpu.memref_squeeze %dma_start3A_160 : memref<1x256xi32, #tpu.memory_space<vmem>> -> memref<256xi32, #tpu.memory_space<vmem>>
        %dma_start3A_162 = arith.constant 0 : i32
        %dma_start3A_163 = arith.constant 0 : i32
        %dma_start3A_164 = tpu.memref_slice %arg2[%dma_start3A_162, %dma_start3A_163] : memref<10000x40xf32, #tpu.memory_space<hbm>> -> memref<10000x40xf32, #tpu.memory_space<hbm>>
        tpu.enqueue_indirect_dma source(%dma_start3A_164 : memref<10000x40xf32, #tpu.memory_space<hbm>>) target(%dma_start3A_158 : memref<256x40xf32, #tpu.memory_space<vmem>>) offsets(%dma_start3A_161 : memref<256xi32, #tpu.memory_space<vmem>>) semaphore(%arg10 : memref<!tpu.dma_semaphore, #tpu.memory_space<semaphore_mem>>)
      } else {
      }
    }
    %while3A_80 = arith.constant 1 : i32
    scf.for %while3A_117 = %while3A_78 to %while3A_74 step %while3A_80  : i32 {
      %rem3A = arith.constant 8 : i32
      %rem3A_118 = arith.remsi %while3A_117, %rem3A : i32
      %dma_wait3A_119 = arith.constant 0 : i32
      %dma_wait3A_120 = arith.constant 0 : i32
      %dma_wait3A_121 = tpu.memref_slice %arg8[%rem3A_118, %dma_wait3A_119, %dma_wait3A_120] : memref<8x256x40xf32, #tpu.memory_space<vmem>> -> memref<1x256x40xf32, #tpu.memory_space<vmem>>
      %dma_wait3A_122 = tpu.memref_squeeze %dma_wait3A_121 : memref<1x256x40xf32, #tpu.memory_space<vmem>> -> memref<256x40xf32, #tpu.memory_space<vmem>>
      %dma_wait3A_123 = arith.constant 0 : i32
      %dma_wait3A_124 = tpu.memref_slice %arg6[%while3A_117, %dma_wait3A_123] : memref<40x256xi32, #tpu.memory_space<vmem>> -> memref<1x256xi32, #tpu.memory_space<vmem>>
      %dma_wait3A_125 = tpu.memref_squeeze %dma_wait3A_124 : memref<1x256xi32, #tpu.memory_space<vmem>> -> memref<256xi32, #tpu.memory_space<vmem>>
      %dma_wait3A_126 = arith.constant 0 : i32
      %dma_wait3A_127 = arith.constant 0 : i32
      %dma_wait3A_128 = tpu.memref_slice %arg2[%dma_wait3A_126, %dma_wait3A_127] : memref<10000x40xf32, #tpu.memory_space<hbm>> -> memref<10000x40xf32, #tpu.memory_space<hbm>>
      tpu.wait_indirect_dma semaphore(%arg10 : memref<!tpu.dma_semaphore, #tpu.memory_space<semaphore_mem>>) src(%dma_wait3A_128 : memref<10000x40xf32, #tpu.memory_space<hbm>>) dst(%dma_wait3A_122 : memref<256x40xf32, #tpu.memory_space<vmem>>)
      %dma_start3A_129 = arith.constant 0 : i32
      %dma_start3A_130 = arith.constant 0 : i32
      %dma_start3A_131 = tpu.memref_slice %arg8[%rem3A_118, %dma_start3A_129, %dma_start3A_130] : memref<8x256x40xf32, #tpu.memory_space<vmem>> -> memref<1x256x40xf32, #tpu.memory_space<vmem>>
      %dma_start3A_132 = tpu.memref_squeeze %dma_start3A_131 : memref<1x256x40xf32, #tpu.memory_space<vmem>> -> memref<256x40xf32, #tpu.memory_space<vmem>>
      %dma_start3A_133 = arith.constant 0 : i32
      %dma_start3A_134 = tpu.memref_slice %arg7[%while3A_117, %dma_start3A_133] : memref<40x256xi32, #tpu.memory_space<vmem>> -> memref<1x256xi32, #tpu.memory_space<vmem>>
      %dma_start3A_135 = tpu.memref_squeeze %dma_start3A_134 : memref<1x256xi32, #tpu.memory_space<vmem>> -> memref<256xi32, #tpu.memory_space<vmem>>
      %dma_start3A_136 = arith.constant 0 : i32
      %dma_start3A_137 = arith.constant 0 : i32
      %dma_start3A_138 = tpu.memref_slice %arg9[%dma_start3A_136, %dma_start3A_137] : memref<10112x40xf32, #tpu.memory_space<vmem_shared>> -> memref<10112x40xf32, #tpu.memory_space<vmem_shared>>
      tpu.enqueue_indirect_dma source(%dma_start3A_132 : memref<256x40xf32, #tpu.memory_space<vmem>>) target(%dma_start3A_138 : memref<10112x40xf32, #tpu.memory_space<vmem_shared>>) offsets(%dma_start3A_135 : memref<256xi32, #tpu.memory_space<vmem>>) semaphore(%arg11 : memref<!tpu.dma_semaphore, #tpu.memory_space<semaphore_mem>>) {add = true}
      %ge3A_139 = arith.constant 3 : i32
      %ge3A_140 = arith.cmpi sge, %while3A_117, %ge3A_139 : i32
      %convert_element_type3A = arith.extui %ge3A_140 : i1 to i32
      %cond3A = arith.constant 0 : i32
      %cond3A_141 = arith.cmpi ne, %convert_element_type3A, %cond3A : i32
      scf.if %cond3A_141 {
        %dma_wait3A_149 = arith.constant 0 : i32
        %dma_wait3A_150 = arith.constant 0 : i32
        %dma_wait3A_151 = tpu.memref_slice %arg8[%rem3A_118, %dma_wait3A_149, %dma_wait3A_150] : memref<8x256x40xf32, #tpu.memory_space<vmem>> -> memref<1x256x40xf32, #tpu.memory_space<vmem>>
        %dma_wait3A_152 = tpu.memref_squeeze %dma_wait3A_151 : memref<1x256x40xf32, #tpu.memory_space<vmem>> -> memref<256x40xf32, #tpu.memory_space<vmem>>
        %dma_wait3A_153 = arith.constant 0 : i32
        %dma_wait3A_154 = tpu.memref_slice %arg7[%while3A_117, %dma_wait3A_153] : memref<40x256xi32, #tpu.memory_space<vmem>> -> memref<1x256xi32, #tpu.memory_space<vmem>>
        %dma_wait3A_155 = tpu.memref_squeeze %dma_wait3A_154 : memref<1x256xi32, #tpu.memory_space<vmem>> -> memref<256xi32, #tpu.memory_space<vmem>>
        %dma_wait3A_156 = arith.constant 0 : i32
        %dma_wait3A_157 = arith.constant 0 : i32
        %dma_wait3A_158 = tpu.memref_slice %arg9[%dma_wait3A_156, %dma_wait3A_157] : memref<10112x40xf32, #tpu.memory_space<vmem_shared>> -> memref<10112x40xf32, #tpu.memory_space<vmem_shared>>
        tpu.wait_indirect_dma semaphore(%arg11 : memref<!tpu.dma_semaphore, #tpu.memory_space<semaphore_mem>>) src(%dma_wait3A_152 : memref<256x40xf32, #tpu.memory_space<vmem>>) dst(%dma_wait3A_158 : memref<10112x40xf32, #tpu.memory_space<vmem_shared>>)
      } else {
      }
      %add3A_142 = arith.constant 8 : i32
      %add3A_143 = arith.addi %while3A_117, %add3A_142 : i32
      %sub3A_144 = arith.constant 3 : i32
      %sub3A_145 = arith.subi %add3A_143, %sub3A_144 : i32
      %lt3A = arith.cmpi slt, %sub3A_145, %add3A_11 : i32
      %convert_element_type3A_146 = arith.extui %lt3A : i1 to i32
      %cond3A_147 = arith.constant 0 : i32
      %cond3A_148 = arith.cmpi ne, %convert_element_type3A_146, %cond3A_147 : i32
      scf.if %cond3A_148 {
        %add3A_149 = arith.constant 8 : i32
        %add3A_150 = arith.addi %while3A_117, %add3A_149 : i32
        %sub3A_151 = arith.constant 3 : i32
        %sub3A_152 = arith.subi %add3A_150, %sub3A_151 : i32
        %rem3A_153 = arith.constant 8 : i32
        %rem3A_154 = arith.remsi %sub3A_152, %rem3A_153 : i32
        %dma_start3A_155 = arith.constant 0 : i32
        %dma_start3A_156 = arith.constant 0 : i32
        %dma_start3A_157 = tpu.memref_slice %arg8[%rem3A_154, %dma_start3A_155, %dma_start3A_156] : memref<8x256x40xf32, #tpu.memory_space<vmem>> -> memref<1x256x40xf32, #tpu.memory_space<vmem>>
        %dma_start3A_158 = tpu.memref_squeeze %dma_start3A_157 : memref<1x256x40xf32, #tpu.memory_space<vmem>> -> memref<256x40xf32, #tpu.memory_space<vmem>>
        %dma_start3A_159 = arith.constant 0 : i32
        %dma_start3A_160 = tpu.memref_slice %arg6[%sub3A_152, %dma_start3A_159] : memref<40x256xi32, #tpu.memory_space<vmem>> -> memref<1x256xi32, #tpu.memory_space<vmem>>
        %dma_start3A_161 = tpu.memref_squeeze %dma_start3A_160 : memref<1x256xi32, #tpu.memory_space<vmem>> -> memref<256xi32, #tpu.memory_space<vmem>>
        %dma_start3A_162 = arith.constant 0 : i32
        %dma_start3A_163 = arith.constant 0 : i32
        %dma_start3A_164 = tpu.memref_slice %arg2[%dma_start3A_162, %dma_start3A_163] : memref<10000x40xf32, #tpu.memory_space<hbm>> -> memref<10000x40xf32, #tpu.memory_space<hbm>>
        tpu.enqueue_indirect_dma source(%dma_start3A_164 : memref<10000x40xf32, #tpu.memory_space<hbm>>) target(%dma_start3A_158 : memref<256x40xf32, #tpu.memory_space<vmem>>) offsets(%dma_start3A_161 : memref<256xi32, #tpu.memory_space<vmem>>) semaphore(%arg10 : memref<!tpu.dma_semaphore, #tpu.memory_space<semaphore_mem>>)
      } else {
      }
    }
    %dma_wait3A = arith.constant 0 : i32
    %dma_wait3A_81 = arith.constant 0 : i32
    %dma_wait3A_82 = arith.constant 0 : i32
    %dma_wait3A_83 = arith.constant 0 : i32
    %dma_wait3A_84 = tpu.memref_slice %arg8[%dma_wait3A, %dma_wait3A_82, %dma_wait3A_83] : memref<8x256x40xf32, #tpu.memory_space<vmem>> -> memref<1x256x40xf32, #tpu.memory_space<vmem>>
    %dma_wait3A_85 = tpu.memref_squeeze %dma_wait3A_84 : memref<1x256x40xf32, #tpu.memory_space<vmem>> -> memref<256x40xf32, #tpu.memory_space<vmem>>
    %dma_wait3A_86 = arith.constant 0 : i32
    %dma_wait3A_87 = tpu.memref_slice %arg7[%dma_wait3A_81, %dma_wait3A_86] : memref<40x256xi32, #tpu.memory_space<vmem>> -> memref<1x256xi32, #tpu.memory_space<vmem>>
    %dma_wait3A_88 = tpu.memref_squeeze %dma_wait3A_87 : memref<1x256xi32, #tpu.memory_space<vmem>> -> memref<256xi32, #tpu.memory_space<vmem>>
    %dma_wait3A_89 = arith.constant 0 : i32
    %dma_wait3A_90 = arith.constant 0 : i32
    %dma_wait3A_91 = tpu.memref_slice %arg9[%dma_wait3A_89, %dma_wait3A_90] : memref<10112x40xf32, #tpu.memory_space<vmem_shared>> -> memref<10112x40xf32, #tpu.memory_space<vmem_shared>>
    tpu.wait_indirect_dma semaphore(%arg11 : memref<!tpu.dma_semaphore, #tpu.memory_space<semaphore_mem>>) src(%dma_wait3A_85 : memref<256x40xf32, #tpu.memory_space<vmem>>) dst(%dma_wait3A_91 : memref<10112x40xf32, #tpu.memory_space<vmem_shared>>)
    %dma_wait3A_92 = arith.constant 0 : i32
    %dma_wait3A_93 = arith.constant 0 : i32
    %dma_wait3A_94 = arith.constant 0 : i32
    %dma_wait3A_95 = arith.constant 0 : i32
    %dma_wait3A_96 = tpu.memref_slice %arg8[%dma_wait3A_92, %dma_wait3A_94, %dma_wait3A_95] : memref<8x256x40xf32, #tpu.memory_space<vmem>> -> memref<1x256x40xf32, #tpu.memory_space<vmem>>
    %dma_wait3A_97 = tpu.memref_squeeze %dma_wait3A_96 : memref<1x256x40xf32, #tpu.memory_space<vmem>> -> memref<256x40xf32, #tpu.memory_space<vmem>>
    %dma_wait3A_98 = arith.constant 0 : i32
    %dma_wait3A_99 = tpu.memref_slice %arg7[%dma_wait3A_93, %dma_wait3A_98] : memref<40x256xi32, #tpu.memory_space<vmem>> -> memref<1x256xi32, #tpu.memory_space<vmem>>
    %dma_wait3A_100 = tpu.memref_squeeze %dma_wait3A_99 : memref<1x256xi32, #tpu.memory_space<vmem>> -> memref<256xi32, #tpu.memory_space<vmem>>
    %dma_wait3A_101 = arith.constant 0 : i32
    %dma_wait3A_102 = arith.constant 0 : i32
    %dma_wait3A_103 = tpu.memref_slice %arg9[%dma_wait3A_101, %dma_wait3A_102] : memref<10112x40xf32, #tpu.memory_space<vmem_shared>> -> memref<10112x40xf32, #tpu.memory_space<vmem_shared>>
    tpu.wait_indirect_dma semaphore(%arg11 : memref<!tpu.dma_semaphore, #tpu.memory_space<semaphore_mem>>) src(%dma_wait3A_97 : memref<256x40xf32, #tpu.memory_space<vmem>>) dst(%dma_wait3A_103 : memref<10112x40xf32, #tpu.memory_space<vmem_shared>>)
    %dma_wait3A_104 = arith.constant 0 : i32
    %dma_wait3A_105 = arith.constant 0 : i32
    %dma_wait3A_106 = arith.constant 0 : i32
    %dma_wait3A_107 = arith.constant 0 : i32
    %dma_wait3A_108 = tpu.memref_slice %arg8[%dma_wait3A_104, %dma_wait3A_106, %dma_wait3A_107] : memref<8x256x40xf32, #tpu.memory_space<vmem>> -> memref<1x256x40xf32, #tpu.memory_space<vmem>>
    %dma_wait3A_109 = tpu.memref_squeeze %dma_wait3A_108 : memref<1x256x40xf32, #tpu.memory_space<vmem>> -> memref<256x40xf32, #tpu.memory_space<vmem>>
    %dma_wait3A_110 = arith.constant 0 : i32
    %dma_wait3A_111 = tpu.memref_slice %arg7[%dma_wait3A_105, %dma_wait3A_110] : memref<40x256xi32, #tpu.memory_space<vmem>> -> memref<1x256xi32, #tpu.memory_space<vmem>>
    %dma_wait3A_112 = tpu.memref_squeeze %dma_wait3A_111 : memref<1x256xi32, #tpu.memory_space<vmem>> -> memref<256xi32, #tpu.memory_space<vmem>>
    %dma_wait3A_113 = arith.constant 0 : i32
    %dma_wait3A_114 = arith.constant 0 : i32
    %dma_wait3A_115 = tpu.memref_slice %arg9[%dma_wait3A_113, %dma_wait3A_114] : memref<10112x40xf32, #tpu.memory_space<vmem_shared>> -> memref<10112x40xf32, #tpu.memory_space<vmem_shared>>
    tpu.wait_indirect_dma semaphore(%arg11 : memref<!tpu.dma_semaphore, #tpu.memory_space<semaphore_mem>>) src(%dma_wait3A_109 : memref<256x40xf32, #tpu.memory_space<vmem>>) dst(%dma_wait3A_115 : memref<10112x40xf32, #tpu.memory_space<vmem_shared>>)
    %barrier3A_116 = arith.constant 0 : index
    tpu.barrier barrier_id(%barrier3A_116)
    "tpu.region"() ({
      %run_scoped3A_117 = tpu.sem_alloc : memref<!tpu.dma_semaphore, #tpu.memory_space<semaphore_mem>>
      %dma_start3A_118 = arith.constant 0 : i32
      %dma_start3A_119 = tpu.memref_slice %arg5[%arg0, %mul3A_2, %dma_start3A_118] : memref<2x10112x40xf32, #tpu.memory_space<hbm>> -> memref<1x632x40xf32, #tpu.memory_space<hbm>>
      %dma_start3A_120 = tpu.memref_squeeze %dma_start3A_119 : memref<1x632x40xf32, #tpu.memory_space<hbm>> -> memref<632x40xf32, #tpu.memory_space<hbm>>
      %dma_start3A_121 = arith.constant 0 : i32
      %dma_start3A_122 = tpu.memref_slice %arg9[%mul3A_2, %dma_start3A_121] : memref<10112x40xf32, #tpu.memory_space<vmem_shared>> -> memref<632x40xf32, #tpu.memory_space<vmem_shared>>
      tpu.enqueue_dma source(%dma_start3A_122 : memref<632x40xf32, #tpu.memory_space<vmem_shared>>) target(%dma_start3A_120 : memref<632x40xf32, #tpu.memory_space<hbm>>) target_semaphore(%run_scoped3A_117 : memref<!tpu.dma_semaphore, #tpu.memory_space<semaphore_mem>>)
      %dma_wait3A_123 = arith.constant 0 : i32
      %dma_wait3A_124 = tpu.memref_slice %arg5[%arg0, %mul3A_2, %dma_wait3A_123] : memref<2x10112x40xf32, #tpu.memory_space<hbm>> -> memref<1x632x40xf32, #tpu.memory_space<hbm>>
      %dma_wait3A_125 = tpu.memref_squeeze %dma_wait3A_124 : memref<1x632x40xf32, #tpu.memory_space<hbm>> -> memref<632x40xf32, #tpu.memory_space<hbm>>
      %dma_wait3A_126 = arith.constant 0 : i32
      %dma_wait3A_127 = tpu.memref_slice %arg9[%mul3A_2, %dma_wait3A_126] : memref<10112x40xf32, #tpu.memory_space<vmem_shared>> -> memref<632x40xf32, #tpu.memory_space<vmem_shared>>
      tpu.wait_dma2 semaphore(%run_scoped3A_117 : memref<!tpu.dma_semaphore, #tpu.memory_space<semaphore_mem>>) src(%dma_wait3A_127 : memref<632x40xf32, #tpu.memory_space<vmem_shared>>) dst(%dma_wait3A_125 : memref<632x40xf32, #tpu.memory_space<hbm>>)
      tpu.yield
    }) : () -> ()
    return
  }
}

#map = affine_map<(d0, d1) -> (0, 0)>
#map1 = affine_map<(d0, d1) -> (0, 0, 0)>
module attributes {stable_mosaic.version = 14 : i64} {
  func.func @_seg_body(%arg0: i32, %arg1: i32, %arg2: memref<10112x40xf32, #tpu.memory_space<hbm>>, %arg3: memref<2x1250x256xi32, #tpu.memory_space<hbm>>, %arg4: memref<10112x40xf32, #tpu.memory_space<hbm>>, %arg5: memref<2x10112x40xf32, #tpu.memory_space<hbm>>, %arg6: memref<40x256xi32, #tpu.memory_space<vmem>>, %arg7: memref<40x256xi32, #tpu.memory_space<vmem>>, %arg8: memref<8x256x40xf32, #tpu.memory_space<vmem>>, %arg9: memref<10112x40xf32, #tpu.memory_space<vmem_shared>>, %arg10: memref<!tpu.dma_semaphore, #tpu.memory_space<semaphore_mem>>, %arg11: memref<!tpu.dma_semaphore, #tpu.memory_space<semaphore_mem>>) attributes {dimension_semantics = [#tpu.dimension_semantics<core_parallel>, #tpu.dimension_semantics<subcore_parallel>], iteration_bounds = array<i64: 2, 16>, scalar_prefetch = 0 : i64, scratch_operands = 6 : i64, tpu.core_type = #tpu.core_type<sc_vector_subcore>, window_params = [{transform_indices = #map}, {transform_indices = #map1}, {transform_indices = #map}, {transform_indices = #map1}]} {
    %mul3A = arith.constant 2 : i32
    %mul3A_0 = arith.muli %arg1, %mul3A : i32
    %add3A = arith.addi %mul3A_0, %arg0 : i32
    %mul3A_1 = arith.constant 632 : i32
    %mul3A_2 = arith.muli %arg1, %mul3A_1 : i32
    %mul3A_3 = arith.constant 39 : i32
    %mul3A_4 = arith.muli %add3A, %mul3A_3 : i32
    %sub3A = arith.constant 30 : i32
    %sub3A_5 = arith.subi %add3A, %sub3A : i32
    %max3A = arith.constant 0 : i32
    %max3A_6 = arith.maxsi %sub3A_5, %max3A : i32
    %add3A_7 = arith.addi %mul3A_4, %max3A_6 : i32
    %ge3A = arith.constant 30 : i32
    %ge3A_8 = arith.cmpi sge, %add3A, %ge3A : i32
    %jit3A = arith.constant 1 : i32
    %jit3A_9 = arith.constant 0 : i32
    %select_n3A = arith.select %ge3A_8, %jit3A, %jit3A_9 : i32
    %add3A_10 = arith.constant 39 : i32
    %add3A_11 = arith.addi %add3A_10, %select_n3A : i32
    "tpu.region"() ({
      %run_scoped3A_117 = tpu.sem_alloc : memref<!tpu.dma_semaphore, #tpu.memory_space<semaphore_mem>>
      %dma_start3A_118 = arith.constant 0 : i32
      %dma_start3A_119 = tpu.memref_slice %arg9[%mul3A_2, %dma_start3A_118] : memref<10112x40xf32, #tpu.memory_space<vmem_shared>> -> memref<632x40xf32, #tpu.memory_space<vmem_shared>>
      %dma_start3A_120 = arith.constant 0 : i32
      %dma_start3A_121 = tpu.memref_slice %arg4[%mul3A_2, %dma_start3A_120] : memref<10112x40xf32, #tpu.memory_space<hbm>> -> memref<632x40xf32, #tpu.memory_space<hbm>>
      tpu.enqueue_dma source(%dma_start3A_121 : memref<632x40xf32, #tpu.memory_space<hbm>>) target(%dma_start3A_119 : memref<632x40xf32, #tpu.memory_space<vmem_shared>>) target_semaphore(%run_scoped3A_117 : memref<!tpu.dma_semaphore, #tpu.memory_space<semaphore_mem>>)
      %dma_wait3A_122 = arith.constant 0 : i32
      %dma_wait3A_123 = tpu.memref_slice %arg9[%mul3A_2, %dma_wait3A_122] : memref<10112x40xf32, #tpu.memory_space<vmem_shared>> -> memref<632x40xf32, #tpu.memory_space<vmem_shared>>
      %dma_wait3A_124 = arith.constant 0 : i32
      %dma_wait3A_125 = tpu.memref_slice %arg4[%mul3A_2, %dma_wait3A_124] : memref<10112x40xf32, #tpu.memory_space<hbm>> -> memref<632x40xf32, #tpu.memory_space<hbm>>
      tpu.wait_dma2 semaphore(%run_scoped3A_117 : memref<!tpu.dma_semaphore, #tpu.memory_space<semaphore_mem>>) src(%dma_wait3A_125 : memref<632x40xf32, #tpu.memory_space<hbm>>) dst(%dma_wait3A_123 : memref<632x40xf32, #tpu.memory_space<vmem_shared>>)
      tpu.yield
    }) : () -> ()
    %run_scoped3A = arith.constant 0 : i32
    "tpu.region"() ({
      %run_scoped3A_117 = tpu.sem_alloc : memref<!tpu.dma_semaphore, #tpu.memory_space<semaphore_mem>>
      %dma_start3A_118 = arith.constant 0 : i32
      %dma_start3A_119 = tpu.memref_slice %arg3[%run_scoped3A, %add3A_7, %dma_start3A_118] : memref<2x1250x256xi32, #tpu.memory_space<hbm>> -> memref<1x40x256xi32, #tpu.memory_space<hbm>>
      %dma_start3A_120 = tpu.memref_squeeze %dma_start3A_119 : memref<1x40x256xi32, #tpu.memory_space<hbm>> -> memref<40x256xi32, #tpu.memory_space<hbm>>
      %dma_start3A_121 = arith.constant 0 : i32
      %dma_start3A_122 = tpu.memref_slice %arg3[%run_scoped3A, %add3A_7, %dma_start3A_121] : memref<2x1250x256xi32, #tpu.memory_space<hbm>> -> memref<1x40x256xi32, #tpu.memory_space<hbm>>
      %dma_start3A_123 = tpu.memref_squeeze %dma_start3A_122 : memref<1x40x256xi32, #tpu.memory_space<hbm>> -> memref<40x256xi32, #tpu.memory_space<hbm>>
      tpu.enqueue_dma source(%dma_start3A_123 : memref<40x256xi32, #tpu.memory_space<hbm>>) target(%arg6 : memref<40x256xi32, #tpu.memory_space<vmem>>) target_semaphore(%run_scoped3A_117 : memref<!tpu.dma_semaphore, #tpu.memory_space<semaphore_mem>>)
      %dma_wait3A_124 = arith.constant 0 : i32
      %dma_wait3A_125 = tpu.memref_slice %arg3[%run_scoped3A, %add3A_7, %dma_wait3A_124] : memref<2x1250x256xi32, #tpu.memory_space<hbm>> -> memref<1x40x256xi32, #tpu.memory_space<hbm>>
      %dma_wait3A_126 = tpu.memref_squeeze %dma_wait3A_125 : memref<1x40x256xi32, #tpu.memory_space<hbm>> -> memref<40x256xi32, #tpu.memory_space<hbm>>
      %dma_wait3A_127 = arith.constant 0 : i32
      %dma_wait3A_128 = tpu.memref_slice %arg3[%run_scoped3A, %add3A_7, %dma_wait3A_127] : memref<2x1250x256xi32, #tpu.memory_space<hbm>> -> memref<1x40x256xi32, #tpu.memory_space<hbm>>
      %dma_wait3A_129 = tpu.memref_squeeze %dma_wait3A_128 : memref<1x40x256xi32, #tpu.memory_space<hbm>> -> memref<40x256xi32, #tpu.memory_space<hbm>>
      tpu.wait_dma2 semaphore(%run_scoped3A_117 : memref<!tpu.dma_semaphore, #tpu.memory_space<semaphore_mem>>) src(%dma_wait3A_129 : memref<40x256xi32, #tpu.memory_space<hbm>>) dst(%arg6 : memref<40x256xi32, #tpu.memory_space<vmem>>)
      tpu.yield
    }) : () -> ()
    %run_scoped3A_12 = arith.constant 1 : i32
    "tpu.region"() ({
      %run_scoped3A_117 = tpu.sem_alloc : memref<!tpu.dma_semaphore, #tpu.memory_space<semaphore_mem>>
      %dma_start3A_118 = arith.constant 0 : i32
      %dma_start3A_119 = tpu.memref_slice %arg3[%run_scoped3A_12, %add3A_7, %dma_start3A_118] : memref<2x1250x256xi32, #tpu.memory_space<hbm>> -> memref<1x40x256xi32, #tpu.memory_space<hbm>>
      %dma_start3A_120 = tpu.memref_squeeze %dma_start3A_119 : memref<1x40x256xi32, #tpu.memory_space<hbm>> -> memref<40x256xi32, #tpu.memory_space<hbm>>
      %dma_start3A_121 = arith.constant 0 : i32
      %dma_start3A_122 = tpu.memref_slice %arg3[%run_scoped3A_12, %add3A_7, %dma_start3A_121] : memref<2x1250x256xi32, #tpu.memory_space<hbm>> -> memref<1x40x256xi32, #tpu.memory_space<hbm>>
      %dma_start3A_123 = tpu.memref_squeeze %dma_start3A_122 : memref<1x40x256xi32, #tpu.memory_space<hbm>> -> memref<40x256xi32, #tpu.memory_space<hbm>>
      tpu.enqueue_dma source(%dma_start3A_123 : memref<40x256xi32, #tpu.memory_space<hbm>>) target(%arg7 : memref<40x256xi32, #tpu.memory_space<vmem>>) target_semaphore(%run_scoped3A_117 : memref<!tpu.dma_semaphore, #tpu.memory_space<semaphore_mem>>)
      %dma_wait3A_124 = arith.constant 0 : i32
      %dma_wait3A_125 = tpu.memref_slice %arg3[%run_scoped3A_12, %add3A_7, %dma_wait3A_124] : memref<2x1250x256xi32, #tpu.memory_space<hbm>> -> memref<1x40x256xi32, #tpu.memory_space<hbm>>
      %dma_wait3A_126 = tpu.memref_squeeze %dma_wait3A_125 : memref<1x40x256xi32, #tpu.memory_space<hbm>> -> memref<40x256xi32, #tpu.memory_space<hbm>>
      %dma_wait3A_127 = arith.constant 0 : i32
      %dma_wait3A_128 = tpu.memref_slice %arg3[%run_scoped3A_12, %add3A_7, %dma_wait3A_127] : memref<2x1250x256xi32, #tpu.memory_space<hbm>> -> memref<1x40x256xi32, #tpu.memory_space<hbm>>
      %dma_wait3A_129 = tpu.memref_squeeze %dma_wait3A_128 : memref<1x40x256xi32, #tpu.memory_space<hbm>> -> memref<40x256xi32, #tpu.memory_space<hbm>>
      tpu.wait_dma2 semaphore(%run_scoped3A_117 : memref<!tpu.dma_semaphore, #tpu.memory_space<semaphore_mem>>) src(%dma_wait3A_129 : memref<40x256xi32, #tpu.memory_space<hbm>>) dst(%arg7 : memref<40x256xi32, #tpu.memory_space<vmem>>)
      tpu.yield
    }) : () -> ()
    %barrier3A = arith.constant 0 : index
    tpu.barrier barrier_id(%barrier3A)
    %dma_start3A = arith.constant 0 : i32
    %dma_start3A_13 = arith.constant 0 : i32
    %dma_start3A_14 = arith.constant 0 : i32
    %dma_start3A_15 = arith.constant 0 : i32
    %dma_start3A_16 = tpu.memref_slice %arg8[%dma_start3A_13, %dma_start3A_14, %dma_start3A_15] : memref<8x256x40xf32, #tpu.memory_space<vmem>> -> memref<1x256x40xf32, #tpu.memory_space<vmem>>
    %dma_start3A_17 = tpu.memref_squeeze %dma_start3A_16 : memref<1x256x40xf32, #tpu.memory_space<vmem>> -> memref<256x40xf32, #tpu.memory_space<vmem>>
    %dma_start3A_18 = arith.constant 0 : i32
    %dma_start3A_19 = tpu.memref_slice %arg6[%dma_start3A, %dma_start3A_18] : memref<40x256xi32, #tpu.memory_space<vmem>> -> memref<1x256xi32, #tpu.memory_space<vmem>>
    %dma_start3A_20 = tpu.memref_squeeze %dma_start3A_19 : memref<1x256xi32, #tpu.memory_space<vmem>> -> memref<256xi32, #tpu.memory_space<vmem>>
    %dma_start3A_21 = arith.constant 0 : i32
    %dma_start3A_22 = arith.constant 0 : i32
    %dma_start3A_23 = tpu.memref_slice %arg2[%dma_start3A_21, %dma_start3A_22] : memref<10112x40xf32, #tpu.memory_space<hbm>> -> memref<10112x40xf32, #tpu.memory_space<hbm>>
    tpu.enqueue_indirect_dma source(%dma_start3A_23 : memref<10112x40xf32, #tpu.memory_space<hbm>>) target(%dma_start3A_17 : memref<256x40xf32, #tpu.memory_space<vmem>>) offsets(%dma_start3A_20 : memref<256xi32, #tpu.memory_space<vmem>>) semaphore(%arg10 : memref<!tpu.dma_semaphore, #tpu.memory_space<semaphore_mem>>)
    %dma_start3A_24 = arith.constant 1 : i32
    %dma_start3A_25 = arith.constant 1 : i32
    %dma_start3A_26 = arith.constant 0 : i32
    %dma_start3A_27 = arith.constant 0 : i32
    %dma_start3A_28 = tpu.memref_slice %arg8[%dma_start3A_25, %dma_start3A_26, %dma_start3A_27] : memref<8x256x40xf32, #tpu.memory_space<vmem>> -> memref<1x256x40xf32, #tpu.memory_space<vmem>>
    %dma_start3A_29 = tpu.memref_squeeze %dma_start3A_28 : memref<1x256x40xf32, #tpu.memory_space<vmem>> -> memref<256x40xf32, #tpu.memory_space<vmem>>
    %dma_start3A_30 = arith.constant 0 : i32
    %dma_start3A_31 = tpu.memref_slice %arg6[%dma_start3A_24, %dma_start3A_30] : memref<40x256xi32, #tpu.memory_space<vmem>> -> memref<1x256xi32, #tpu.memory_space<vmem>>
    %dma_start3A_32 = tpu.memref_squeeze %dma_start3A_31 : memref<1x256xi32, #tpu.memory_space<vmem>> -> memref<256xi32, #tpu.memory_space<vmem>>
    %dma_start3A_33 = arith.constant 0 : i32
    %dma_start3A_34 = arith.constant 0 : i32
    %dma_start3A_35 = tpu.memref_slice %arg2[%dma_start3A_33, %dma_start3A_34] : memref<10112x40xf32, #tpu.memory_space<hbm>> -> memref<10112x40xf32, #tpu.memory_space<hbm>>
    tpu.enqueue_indirect_dma source(%dma_start3A_35 : memref<10112x40xf32, #tpu.memory_space<hbm>>) target(%dma_start3A_29 : memref<256x40xf32, #tpu.memory_space<vmem>>) offsets(%dma_start3A_32 : memref<256xi32, #tpu.memory_space<vmem>>) semaphore(%arg10 : memref<!tpu.dma_semaphore, #tpu.memory_space<semaphore_mem>>)
    %dma_start3A_36 = arith.constant 2 : i32
    %dma_start3A_37 = arith.constant 2 : i32
    %dma_start3A_38 = arith.constant 0 : i32
    %dma_start3A_39 = arith.constant 0 : i32
    %dma_start3A_40 = tpu.memref_slice %arg8[%dma_start3A_37, %dma_start3A_38, %dma_start3A_39] : memref<8x256x40xf32, #tpu.memory_space<vmem>> -> memref<1x256x40xf32, #tpu.memory_space<vmem>>
    %dma_start3A_41 = tpu.memref_squeeze %dma_start3A_40 : memref<1x256x40xf32, #tpu.memory_space<vmem>> -> memref<256x40xf32, #tpu.memory_space<vmem>>
    %dma_start3A_42 = arith.constant 0 : i32
    %dma_start3A_43 = tpu.memref_slice %arg6[%dma_start3A_36, %dma_start3A_42] : memref<40x256xi32, #tpu.memory_space<vmem>> -> memref<1x256xi32, #tpu.memory_space<vmem>>
    %dma_start3A_44 = tpu.memref_squeeze %dma_start3A_43 : memref<1x256xi32, #tpu.memory_space<vmem>> -> memref<256xi32, #tpu.memory_space<vmem>>
    %dma_start3A_45 = arith.constant 0 : i32
    %dma_start3A_46 = arith.constant 0 : i32
    %dma_start3A_47 = tpu.memref_slice %arg2[%dma_start3A_45, %dma_start3A_46] : memref<10112x40xf32, #tpu.memory_space<hbm>> -> memref<10112x40xf32, #tpu.memory_space<hbm>>
    tpu.enqueue_indirect_dma source(%dma_start3A_47 : memref<10112x40xf32, #tpu.memory_space<hbm>>) target(%dma_start3A_41 : memref<256x40xf32, #tpu.memory_space<vmem>>) offsets(%dma_start3A_44 : memref<256xi32, #tpu.memory_space<vmem>>) semaphore(%arg10 : memref<!tpu.dma_semaphore, #tpu.memory_space<semaphore_mem>>)
    %dma_start3A_48 = arith.constant 3 : i32
    %dma_start3A_49 = arith.constant 3 : i32
    %dma_start3A_50 = arith.constant 0 : i32
    %dma_start3A_51 = arith.constant 0 : i32
    %dma_start3A_52 = tpu.memref_slice %arg8[%dma_start3A_49, %dma_start3A_50, %dma_start3A_51] : memref<8x256x40xf32, #tpu.memory_space<vmem>> -> memref<1x256x40xf32, #tpu.memory_space<vmem>>
    %dma_start3A_53 = tpu.memref_squeeze %dma_start3A_52 : memref<1x256x40xf32, #tpu.memory_space<vmem>> -> memref<256x40xf32, #tpu.memory_space<vmem>>
    %dma_start3A_54 = arith.constant 0 : i32
    %dma_start3A_55 = tpu.memref_slice %arg6[%dma_start3A_48, %dma_start3A_54] : memref<40x256xi32, #tpu.memory_space<vmem>> -> memref<1x256xi32, #tpu.memory_space<vmem>>
    %dma_start3A_56 = tpu.memref_squeeze %dma_start3A_55 : memref<1x256xi32, #tpu.memory_space<vmem>> -> memref<256xi32, #tpu.memory_space<vmem>>
    %dma_start3A_57 = arith.constant 0 : i32
    %dma_start3A_58 = arith.constant 0 : i32
    %dma_start3A_59 = tpu.memref_slice %arg2[%dma_start3A_57, %dma_start3A_58] : memref<10112x40xf32, #tpu.memory_space<hbm>> -> memref<10112x40xf32, #tpu.memory_space<hbm>>
    tpu.enqueue_indirect_dma source(%dma_start3A_59 : memref<10112x40xf32, #tpu.memory_space<hbm>>) target(%dma_start3A_53 : memref<256x40xf32, #tpu.memory_space<vmem>>) offsets(%dma_start3A_56 : memref<256xi32, #tpu.memory_space<vmem>>) semaphore(%arg10 : memref<!tpu.dma_semaphore, #tpu.memory_space<semaphore_mem>>)
    %dma_start3A_60 = arith.constant 4 : i32
    %dma_start3A_61 = arith.constant 4 : i32
    %dma_start3A_62 = arith.constant 0 : i32
    %dma_start3A_63 = arith.constant 0 : i32
    %dma_start3A_64 = tpu.memref_slice %arg8[%dma_start3A_61, %dma_start3A_62, %dma_start3A_63] : memref<8x256x40xf32, #tpu.memory_space<vmem>> -> memref<1x256x40xf32, #tpu.memory_space<vmem>>
    %dma_start3A_65 = tpu.memref_squeeze %dma_start3A_64 : memref<1x256x40xf32, #tpu.memory_space<vmem>> -> memref<256x40xf32, #tpu.memory_space<vmem>>
    %dma_start3A_66 = arith.constant 0 : i32
    %dma_start3A_67 = tpu.memref_slice %arg6[%dma_start3A_60, %dma_start3A_66] : memref<40x256xi32, #tpu.memory_space<vmem>> -> memref<1x256xi32, #tpu.memory_space<vmem>>
    %dma_start3A_68 = tpu.memref_squeeze %dma_start3A_67 : memref<1x256xi32, #tpu.memory_space<vmem>> -> memref<256xi32, #tpu.memory_space<vmem>>
    %dma_start3A_69 = arith.constant 0 : i32
    %dma_start3A_70 = arith.constant 0 : i32
    %dma_start3A_71 = tpu.memref_slice %arg2[%dma_start3A_69, %dma_start3A_70] : memref<10112x40xf32, #tpu.memory_space<hbm>> -> memref<10112x40xf32, #tpu.memory_space<hbm>>
    tpu.enqueue_indirect_dma source(%dma_start3A_71 : memref<10112x40xf32, #tpu.memory_space<hbm>>) target(%dma_start3A_65 : memref<256x40xf32, #tpu.memory_space<vmem>>) offsets(%dma_start3A_68 : memref<256xi32, #tpu.memory_space<vmem>>) semaphore(%arg10 : memref<!tpu.dma_semaphore, #tpu.memory_space<semaphore_mem>>)
    %while3A = arith.constant 0 : i32
    %while3A_72 = arith.constant 0 : i32
    %while3A_73 = arith.subi %add3A_11, %while3A_72 : i32
    %while3A_74 = arith.addi %while3A_72, %while3A_73 : i32
    %while3A_75 = arith.constant 1 : i32
    %while3A_76 = arith.divsi %while3A_73, %while3A_75 : i32
    %while3A_77 = arith.muli %while3A_76, %while3A_75 : i32
    %while3A_78 = arith.addi %while3A_72, %while3A_77 : i32
    %while3A_79 = arith.constant 1 : i32
    scf.for %while3A_117 = %while3A_72 to %while3A_78 step %while3A_79  : i32 {
      %rem3A = arith.constant 8 : i32
      %rem3A_118 = arith.remsi %while3A_117, %rem3A : i32
      %dma_wait3A_119 = arith.constant 0 : i32
      %dma_wait3A_120 = arith.constant 0 : i32
      %dma_wait3A_121 = tpu.memref_slice %arg8[%rem3A_118, %dma_wait3A_119, %dma_wait3A_120] : memref<8x256x40xf32, #tpu.memory_space<vmem>> -> memref<1x256x40xf32, #tpu.memory_space<vmem>>
      %dma_wait3A_122 = tpu.memref_squeeze %dma_wait3A_121 : memref<1x256x40xf32, #tpu.memory_space<vmem>> -> memref<256x40xf32, #tpu.memory_space<vmem>>
      %dma_wait3A_123 = arith.constant 0 : i32
      %dma_wait3A_124 = tpu.memref_slice %arg6[%while3A_117, %dma_wait3A_123] : memref<40x256xi32, #tpu.memory_space<vmem>> -> memref<1x256xi32, #tpu.memory_space<vmem>>
      %dma_wait3A_125 = tpu.memref_squeeze %dma_wait3A_124 : memref<1x256xi32, #tpu.memory_space<vmem>> -> memref<256xi32, #tpu.memory_space<vmem>>
      %dma_wait3A_126 = arith.constant 0 : i32
      %dma_wait3A_127 = arith.constant 0 : i32
      %dma_wait3A_128 = tpu.memref_slice %arg2[%dma_wait3A_126, %dma_wait3A_127] : memref<10112x40xf32, #tpu.memory_space<hbm>> -> memref<10112x40xf32, #tpu.memory_space<hbm>>
      tpu.wait_indirect_dma semaphore(%arg10 : memref<!tpu.dma_semaphore, #tpu.memory_space<semaphore_mem>>) src(%dma_wait3A_128 : memref<10112x40xf32, #tpu.memory_space<hbm>>) dst(%dma_wait3A_122 : memref<256x40xf32, #tpu.memory_space<vmem>>)
      %dma_start3A_129 = arith.constant 0 : i32
      %dma_start3A_130 = arith.constant 0 : i32
      %dma_start3A_131 = tpu.memref_slice %arg8[%rem3A_118, %dma_start3A_129, %dma_start3A_130] : memref<8x256x40xf32, #tpu.memory_space<vmem>> -> memref<1x256x40xf32, #tpu.memory_space<vmem>>
      %dma_start3A_132 = tpu.memref_squeeze %dma_start3A_131 : memref<1x256x40xf32, #tpu.memory_space<vmem>> -> memref<256x40xf32, #tpu.memory_space<vmem>>
      %dma_start3A_133 = arith.constant 0 : i32
      %dma_start3A_134 = tpu.memref_slice %arg7[%while3A_117, %dma_start3A_133] : memref<40x256xi32, #tpu.memory_space<vmem>> -> memref<1x256xi32, #tpu.memory_space<vmem>>
      %dma_start3A_135 = tpu.memref_squeeze %dma_start3A_134 : memref<1x256xi32, #tpu.memory_space<vmem>> -> memref<256xi32, #tpu.memory_space<vmem>>
      %dma_start3A_136 = arith.constant 0 : i32
      %dma_start3A_137 = arith.constant 0 : i32
      %dma_start3A_138 = tpu.memref_slice %arg9[%dma_start3A_136, %dma_start3A_137] : memref<10112x40xf32, #tpu.memory_space<vmem_shared>> -> memref<10112x40xf32, #tpu.memory_space<vmem_shared>>
      tpu.enqueue_indirect_dma source(%dma_start3A_132 : memref<256x40xf32, #tpu.memory_space<vmem>>) target(%dma_start3A_138 : memref<10112x40xf32, #tpu.memory_space<vmem_shared>>) offsets(%dma_start3A_135 : memref<256xi32, #tpu.memory_space<vmem>>) semaphore(%arg11 : memref<!tpu.dma_semaphore, #tpu.memory_space<semaphore_mem>>) {add = true}
      %ge3A_139 = arith.constant 3 : i32
      %ge3A_140 = arith.cmpi sge, %while3A_117, %ge3A_139 : i32
      %convert_element_type3A = arith.extui %ge3A_140 : i1 to i32
      %cond3A = arith.constant 0 : i32
      %cond3A_141 = arith.cmpi ne, %convert_element_type3A, %cond3A : i32
      scf.if %cond3A_141 {
        %dma_wait3A_149 = arith.constant 0 : i32
        %dma_wait3A_150 = arith.constant 0 : i32
        %dma_wait3A_151 = tpu.memref_slice %arg8[%rem3A_118, %dma_wait3A_149, %dma_wait3A_150] : memref<8x256x40xf32, #tpu.memory_space<vmem>> -> memref<1x256x40xf32, #tpu.memory_space<vmem>>
        %dma_wait3A_152 = tpu.memref_squeeze %dma_wait3A_151 : memref<1x256x40xf32, #tpu.memory_space<vmem>> -> memref<256x40xf32, #tpu.memory_space<vmem>>
        %dma_wait3A_153 = arith.constant 0 : i32
        %dma_wait3A_154 = tpu.memref_slice %arg7[%while3A_117, %dma_wait3A_153] : memref<40x256xi32, #tpu.memory_space<vmem>> -> memref<1x256xi32, #tpu.memory_space<vmem>>
        %dma_wait3A_155 = tpu.memref_squeeze %dma_wait3A_154 : memref<1x256xi32, #tpu.memory_space<vmem>> -> memref<256xi32, #tpu.memory_space<vmem>>
        %dma_wait3A_156 = arith.constant 0 : i32
        %dma_wait3A_157 = arith.constant 0 : i32
        %dma_wait3A_158 = tpu.memref_slice %arg9[%dma_wait3A_156, %dma_wait3A_157] : memref<10112x40xf32, #tpu.memory_space<vmem_shared>> -> memref<10112x40xf32, #tpu.memory_space<vmem_shared>>
        tpu.wait_indirect_dma semaphore(%arg11 : memref<!tpu.dma_semaphore, #tpu.memory_space<semaphore_mem>>) src(%dma_wait3A_152 : memref<256x40xf32, #tpu.memory_space<vmem>>) dst(%dma_wait3A_158 : memref<10112x40xf32, #tpu.memory_space<vmem_shared>>)
      } else {
      }
      %add3A_142 = arith.constant 8 : i32
      %add3A_143 = arith.addi %while3A_117, %add3A_142 : i32
      %sub3A_144 = arith.constant 3 : i32
      %sub3A_145 = arith.subi %add3A_143, %sub3A_144 : i32
      %lt3A = arith.cmpi slt, %sub3A_145, %add3A_11 : i32
      %convert_element_type3A_146 = arith.extui %lt3A : i1 to i32
      %cond3A_147 = arith.constant 0 : i32
      %cond3A_148 = arith.cmpi ne, %convert_element_type3A_146, %cond3A_147 : i32
      scf.if %cond3A_148 {
        %add3A_149 = arith.constant 8 : i32
        %add3A_150 = arith.addi %while3A_117, %add3A_149 : i32
        %sub3A_151 = arith.constant 3 : i32
        %sub3A_152 = arith.subi %add3A_150, %sub3A_151 : i32
        %rem3A_153 = arith.constant 8 : i32
        %rem3A_154 = arith.remsi %sub3A_152, %rem3A_153 : i32
        %dma_start3A_155 = arith.constant 0 : i32
        %dma_start3A_156 = arith.constant 0 : i32
        %dma_start3A_157 = tpu.memref_slice %arg8[%rem3A_154, %dma_start3A_155, %dma_start3A_156] : memref<8x256x40xf32, #tpu.memory_space<vmem>> -> memref<1x256x40xf32, #tpu.memory_space<vmem>>
        %dma_start3A_158 = tpu.memref_squeeze %dma_start3A_157 : memref<1x256x40xf32, #tpu.memory_space<vmem>> -> memref<256x40xf32, #tpu.memory_space<vmem>>
        %dma_start3A_159 = arith.constant 0 : i32
        %dma_start3A_160 = tpu.memref_slice %arg6[%sub3A_152, %dma_start3A_159] : memref<40x256xi32, #tpu.memory_space<vmem>> -> memref<1x256xi32, #tpu.memory_space<vmem>>
        %dma_start3A_161 = tpu.memref_squeeze %dma_start3A_160 : memref<1x256xi32, #tpu.memory_space<vmem>> -> memref<256xi32, #tpu.memory_space<vmem>>
        %dma_start3A_162 = arith.constant 0 : i32
        %dma_start3A_163 = arith.constant 0 : i32
        %dma_start3A_164 = tpu.memref_slice %arg2[%dma_start3A_162, %dma_start3A_163] : memref<10112x40xf32, #tpu.memory_space<hbm>> -> memref<10112x40xf32, #tpu.memory_space<hbm>>
        tpu.enqueue_indirect_dma source(%dma_start3A_164 : memref<10112x40xf32, #tpu.memory_space<hbm>>) target(%dma_start3A_158 : memref<256x40xf32, #tpu.memory_space<vmem>>) offsets(%dma_start3A_161 : memref<256xi32, #tpu.memory_space<vmem>>) semaphore(%arg10 : memref<!tpu.dma_semaphore, #tpu.memory_space<semaphore_mem>>)
      } else {
      }
    }
    %while3A_80 = arith.constant 1 : i32
    scf.for %while3A_117 = %while3A_78 to %while3A_74 step %while3A_80  : i32 {
      %rem3A = arith.constant 8 : i32
      %rem3A_118 = arith.remsi %while3A_117, %rem3A : i32
      %dma_wait3A_119 = arith.constant 0 : i32
      %dma_wait3A_120 = arith.constant 0 : i32
      %dma_wait3A_121 = tpu.memref_slice %arg8[%rem3A_118, %dma_wait3A_119, %dma_wait3A_120] : memref<8x256x40xf32, #tpu.memory_space<vmem>> -> memref<1x256x40xf32, #tpu.memory_space<vmem>>
      %dma_wait3A_122 = tpu.memref_squeeze %dma_wait3A_121 : memref<1x256x40xf32, #tpu.memory_space<vmem>> -> memref<256x40xf32, #tpu.memory_space<vmem>>
      %dma_wait3A_123 = arith.constant 0 : i32
      %dma_wait3A_124 = tpu.memref_slice %arg6[%while3A_117, %dma_wait3A_123] : memref<40x256xi32, #tpu.memory_space<vmem>> -> memref<1x256xi32, #tpu.memory_space<vmem>>
      %dma_wait3A_125 = tpu.memref_squeeze %dma_wait3A_124 : memref<1x256xi32, #tpu.memory_space<vmem>> -> memref<256xi32, #tpu.memory_space<vmem>>
      %dma_wait3A_126 = arith.constant 0 : i32
      %dma_wait3A_127 = arith.constant 0 : i32
      %dma_wait3A_128 = tpu.memref_slice %arg2[%dma_wait3A_126, %dma_wait3A_127] : memref<10112x40xf32, #tpu.memory_space<hbm>> -> memref<10112x40xf32, #tpu.memory_space<hbm>>
      tpu.wait_indirect_dma semaphore(%arg10 : memref<!tpu.dma_semaphore, #tpu.memory_space<semaphore_mem>>) src(%dma_wait3A_128 : memref<10112x40xf32, #tpu.memory_space<hbm>>) dst(%dma_wait3A_122 : memref<256x40xf32, #tpu.memory_space<vmem>>)
      %dma_start3A_129 = arith.constant 0 : i32
      %dma_start3A_130 = arith.constant 0 : i32
      %dma_start3A_131 = tpu.memref_slice %arg8[%rem3A_118, %dma_start3A_129, %dma_start3A_130] : memref<8x256x40xf32, #tpu.memory_space<vmem>> -> memref<1x256x40xf32, #tpu.memory_space<vmem>>
      %dma_start3A_132 = tpu.memref_squeeze %dma_start3A_131 : memref<1x256x40xf32, #tpu.memory_space<vmem>> -> memref<256x40xf32, #tpu.memory_space<vmem>>
      %dma_start3A_133 = arith.constant 0 : i32
      %dma_start3A_134 = tpu.memref_slice %arg7[%while3A_117, %dma_start3A_133] : memref<40x256xi32, #tpu.memory_space<vmem>> -> memref<1x256xi32, #tpu.memory_space<vmem>>
      %dma_start3A_135 = tpu.memref_squeeze %dma_start3A_134 : memref<1x256xi32, #tpu.memory_space<vmem>> -> memref<256xi32, #tpu.memory_space<vmem>>
      %dma_start3A_136 = arith.constant 0 : i32
      %dma_start3A_137 = arith.constant 0 : i32
      %dma_start3A_138 = tpu.memref_slice %arg9[%dma_start3A_136, %dma_start3A_137] : memref<10112x40xf32, #tpu.memory_space<vmem_shared>> -> memref<10112x40xf32, #tpu.memory_space<vmem_shared>>
      tpu.enqueue_indirect_dma source(%dma_start3A_132 : memref<256x40xf32, #tpu.memory_space<vmem>>) target(%dma_start3A_138 : memref<10112x40xf32, #tpu.memory_space<vmem_shared>>) offsets(%dma_start3A_135 : memref<256xi32, #tpu.memory_space<vmem>>) semaphore(%arg11 : memref<!tpu.dma_semaphore, #tpu.memory_space<semaphore_mem>>) {add = true}
      %ge3A_139 = arith.constant 3 : i32
      %ge3A_140 = arith.cmpi sge, %while3A_117, %ge3A_139 : i32
      %convert_element_type3A = arith.extui %ge3A_140 : i1 to i32
      %cond3A = arith.constant 0 : i32
      %cond3A_141 = arith.cmpi ne, %convert_element_type3A, %cond3A : i32
      scf.if %cond3A_141 {
        %dma_wait3A_149 = arith.constant 0 : i32
        %dma_wait3A_150 = arith.constant 0 : i32
        %dma_wait3A_151 = tpu.memref_slice %arg8[%rem3A_118, %dma_wait3A_149, %dma_wait3A_150] : memref<8x256x40xf32, #tpu.memory_space<vmem>> -> memref<1x256x40xf32, #tpu.memory_space<vmem>>
        %dma_wait3A_152 = tpu.memref_squeeze %dma_wait3A_151 : memref<1x256x40xf32, #tpu.memory_space<vmem>> -> memref<256x40xf32, #tpu.memory_space<vmem>>
        %dma_wait3A_153 = arith.constant 0 : i32
        %dma_wait3A_154 = tpu.memref_slice %arg7[%while3A_117, %dma_wait3A_153] : memref<40x256xi32, #tpu.memory_space<vmem>> -> memref<1x256xi32, #tpu.memory_space<vmem>>
        %dma_wait3A_155 = tpu.memref_squeeze %dma_wait3A_154 : memref<1x256xi32, #tpu.memory_space<vmem>> -> memref<256xi32, #tpu.memory_space<vmem>>
        %dma_wait3A_156 = arith.constant 0 : i32
        %dma_wait3A_157 = arith.constant 0 : i32
        %dma_wait3A_158 = tpu.memref_slice %arg9[%dma_wait3A_156, %dma_wait3A_157] : memref<10112x40xf32, #tpu.memory_space<vmem_shared>> -> memref<10112x40xf32, #tpu.memory_space<vmem_shared>>
        tpu.wait_indirect_dma semaphore(%arg11 : memref<!tpu.dma_semaphore, #tpu.memory_space<semaphore_mem>>) src(%dma_wait3A_152 : memref<256x40xf32, #tpu.memory_space<vmem>>) dst(%dma_wait3A_158 : memref<10112x40xf32, #tpu.memory_space<vmem_shared>>)
      } else {
      }
      %add3A_142 = arith.constant 8 : i32
      %add3A_143 = arith.addi %while3A_117, %add3A_142 : i32
      %sub3A_144 = arith.constant 3 : i32
      %sub3A_145 = arith.subi %add3A_143, %sub3A_144 : i32
      %lt3A = arith.cmpi slt, %sub3A_145, %add3A_11 : i32
      %convert_element_type3A_146 = arith.extui %lt3A : i1 to i32
      %cond3A_147 = arith.constant 0 : i32
      %cond3A_148 = arith.cmpi ne, %convert_element_type3A_146, %cond3A_147 : i32
      scf.if %cond3A_148 {
        %add3A_149 = arith.constant 8 : i32
        %add3A_150 = arith.addi %while3A_117, %add3A_149 : i32
        %sub3A_151 = arith.constant 3 : i32
        %sub3A_152 = arith.subi %add3A_150, %sub3A_151 : i32
        %rem3A_153 = arith.constant 8 : i32
        %rem3A_154 = arith.remsi %sub3A_152, %rem3A_153 : i32
        %dma_start3A_155 = arith.constant 0 : i32
        %dma_start3A_156 = arith.constant 0 : i32
        %dma_start3A_157 = tpu.memref_slice %arg8[%rem3A_154, %dma_start3A_155, %dma_start3A_156] : memref<8x256x40xf32, #tpu.memory_space<vmem>> -> memref<1x256x40xf32, #tpu.memory_space<vmem>>
        %dma_start3A_158 = tpu.memref_squeeze %dma_start3A_157 : memref<1x256x40xf32, #tpu.memory_space<vmem>> -> memref<256x40xf32, #tpu.memory_space<vmem>>
        %dma_start3A_159 = arith.constant 0 : i32
        %dma_start3A_160 = tpu.memref_slice %arg6[%sub3A_152, %dma_start3A_159] : memref<40x256xi32, #tpu.memory_space<vmem>> -> memref<1x256xi32, #tpu.memory_space<vmem>>
        %dma_start3A_161 = tpu.memref_squeeze %dma_start3A_160 : memref<1x256xi32, #tpu.memory_space<vmem>> -> memref<256xi32, #tpu.memory_space<vmem>>
        %dma_start3A_162 = arith.constant 0 : i32
        %dma_start3A_163 = arith.constant 0 : i32
        %dma_start3A_164 = tpu.memref_slice %arg2[%dma_start3A_162, %dma_start3A_163] : memref<10112x40xf32, #tpu.memory_space<hbm>> -> memref<10112x40xf32, #tpu.memory_space<hbm>>
        tpu.enqueue_indirect_dma source(%dma_start3A_164 : memref<10112x40xf32, #tpu.memory_space<hbm>>) target(%dma_start3A_158 : memref<256x40xf32, #tpu.memory_space<vmem>>) offsets(%dma_start3A_161 : memref<256xi32, #tpu.memory_space<vmem>>) semaphore(%arg10 : memref<!tpu.dma_semaphore, #tpu.memory_space<semaphore_mem>>)
      } else {
      }
    }
    %dma_wait3A = arith.constant 0 : i32
    %dma_wait3A_81 = arith.constant 0 : i32
    %dma_wait3A_82 = arith.constant 0 : i32
    %dma_wait3A_83 = arith.constant 0 : i32
    %dma_wait3A_84 = tpu.memref_slice %arg8[%dma_wait3A, %dma_wait3A_82, %dma_wait3A_83] : memref<8x256x40xf32, #tpu.memory_space<vmem>> -> memref<1x256x40xf32, #tpu.memory_space<vmem>>
    %dma_wait3A_85 = tpu.memref_squeeze %dma_wait3A_84 : memref<1x256x40xf32, #tpu.memory_space<vmem>> -> memref<256x40xf32, #tpu.memory_space<vmem>>
    %dma_wait3A_86 = arith.constant 0 : i32
    %dma_wait3A_87 = tpu.memref_slice %arg7[%dma_wait3A_81, %dma_wait3A_86] : memref<40x256xi32, #tpu.memory_space<vmem>> -> memref<1x256xi32, #tpu.memory_space<vmem>>
    %dma_wait3A_88 = tpu.memref_squeeze %dma_wait3A_87 : memref<1x256xi32, #tpu.memory_space<vmem>> -> memref<256xi32, #tpu.memory_space<vmem>>
    %dma_wait3A_89 = arith.constant 0 : i32
    %dma_wait3A_90 = arith.constant 0 : i32
    %dma_wait3A_91 = tpu.memref_slice %arg9[%dma_wait3A_89, %dma_wait3A_90] : memref<10112x40xf32, #tpu.memory_space<vmem_shared>> -> memref<10112x40xf32, #tpu.memory_space<vmem_shared>>
    tpu.wait_indirect_dma semaphore(%arg11 : memref<!tpu.dma_semaphore, #tpu.memory_space<semaphore_mem>>) src(%dma_wait3A_85 : memref<256x40xf32, #tpu.memory_space<vmem>>) dst(%dma_wait3A_91 : memref<10112x40xf32, #tpu.memory_space<vmem_shared>>)
    %dma_wait3A_92 = arith.constant 0 : i32
    %dma_wait3A_93 = arith.constant 0 : i32
    %dma_wait3A_94 = arith.constant 0 : i32
    %dma_wait3A_95 = arith.constant 0 : i32
    %dma_wait3A_96 = tpu.memref_slice %arg8[%dma_wait3A_92, %dma_wait3A_94, %dma_wait3A_95] : memref<8x256x40xf32, #tpu.memory_space<vmem>> -> memref<1x256x40xf32, #tpu.memory_space<vmem>>
    %dma_wait3A_97 = tpu.memref_squeeze %dma_wait3A_96 : memref<1x256x40xf32, #tpu.memory_space<vmem>> -> memref<256x40xf32, #tpu.memory_space<vmem>>
    %dma_wait3A_98 = arith.constant 0 : i32
    %dma_wait3A_99 = tpu.memref_slice %arg7[%dma_wait3A_93, %dma_wait3A_98] : memref<40x256xi32, #tpu.memory_space<vmem>> -> memref<1x256xi32, #tpu.memory_space<vmem>>
    %dma_wait3A_100 = tpu.memref_squeeze %dma_wait3A_99 : memref<1x256xi32, #tpu.memory_space<vmem>> -> memref<256xi32, #tpu.memory_space<vmem>>
    %dma_wait3A_101 = arith.constant 0 : i32
    %dma_wait3A_102 = arith.constant 0 : i32
    %dma_wait3A_103 = tpu.memref_slice %arg9[%dma_wait3A_101, %dma_wait3A_102] : memref<10112x40xf32, #tpu.memory_space<vmem_shared>> -> memref<10112x40xf32, #tpu.memory_space<vmem_shared>>
    tpu.wait_indirect_dma semaphore(%arg11 : memref<!tpu.dma_semaphore, #tpu.memory_space<semaphore_mem>>) src(%dma_wait3A_97 : memref<256x40xf32, #tpu.memory_space<vmem>>) dst(%dma_wait3A_103 : memref<10112x40xf32, #tpu.memory_space<vmem_shared>>)
    %dma_wait3A_104 = arith.constant 0 : i32
    %dma_wait3A_105 = arith.constant 0 : i32
    %dma_wait3A_106 = arith.constant 0 : i32
    %dma_wait3A_107 = arith.constant 0 : i32
    %dma_wait3A_108 = tpu.memref_slice %arg8[%dma_wait3A_104, %dma_wait3A_106, %dma_wait3A_107] : memref<8x256x40xf32, #tpu.memory_space<vmem>> -> memref<1x256x40xf32, #tpu.memory_space<vmem>>
    %dma_wait3A_109 = tpu.memref_squeeze %dma_wait3A_108 : memref<1x256x40xf32, #tpu.memory_space<vmem>> -> memref<256x40xf32, #tpu.memory_space<vmem>>
    %dma_wait3A_110 = arith.constant 0 : i32
    %dma_wait3A_111 = tpu.memref_slice %arg7[%dma_wait3A_105, %dma_wait3A_110] : memref<40x256xi32, #tpu.memory_space<vmem>> -> memref<1x256xi32, #tpu.memory_space<vmem>>
    %dma_wait3A_112 = tpu.memref_squeeze %dma_wait3A_111 : memref<1x256xi32, #tpu.memory_space<vmem>> -> memref<256xi32, #tpu.memory_space<vmem>>
    %dma_wait3A_113 = arith.constant 0 : i32
    %dma_wait3A_114 = arith.constant 0 : i32
    %dma_wait3A_115 = tpu.memref_slice %arg9[%dma_wait3A_113, %dma_wait3A_114] : memref<10112x40xf32, #tpu.memory_space<vmem_shared>> -> memref<10112x40xf32, #tpu.memory_space<vmem_shared>>
    tpu.wait_indirect_dma semaphore(%arg11 : memref<!tpu.dma_semaphore, #tpu.memory_space<semaphore_mem>>) src(%dma_wait3A_109 : memref<256x40xf32, #tpu.memory_space<vmem>>) dst(%dma_wait3A_115 : memref<10112x40xf32, #tpu.memory_space<vmem_shared>>)
    %barrier3A_116 = arith.constant 0 : index
    tpu.barrier barrier_id(%barrier3A_116)
    "tpu.region"() ({
      %run_scoped3A_117 = tpu.sem_alloc : memref<!tpu.dma_semaphore, #tpu.memory_space<semaphore_mem>>
      %dma_start3A_118 = arith.constant 0 : i32
      %dma_start3A_119 = tpu.memref_slice %arg5[%arg0, %mul3A_2, %dma_start3A_118] : memref<2x10112x40xf32, #tpu.memory_space<hbm>> -> memref<1x632x40xf32, #tpu.memory_space<hbm>>
      %dma_start3A_120 = tpu.memref_squeeze %dma_start3A_119 : memref<1x632x40xf32, #tpu.memory_space<hbm>> -> memref<632x40xf32, #tpu.memory_space<hbm>>
      %dma_start3A_121 = arith.constant 0 : i32
      %dma_start3A_122 = tpu.memref_slice %arg9[%mul3A_2, %dma_start3A_121] : memref<10112x40xf32, #tpu.memory_space<vmem_shared>> -> memref<632x40xf32, #tpu.memory_space<vmem_shared>>
      tpu.enqueue_dma source(%dma_start3A_122 : memref<632x40xf32, #tpu.memory_space<vmem_shared>>) target(%dma_start3A_120 : memref<632x40xf32, #tpu.memory_space<hbm>>) target_semaphore(%run_scoped3A_117 : memref<!tpu.dma_semaphore, #tpu.memory_space<semaphore_mem>>)
      %dma_wait3A_123 = arith.constant 0 : i32
      %dma_wait3A_124 = tpu.memref_slice %arg5[%arg0, %mul3A_2, %dma_wait3A_123] : memref<2x10112x40xf32, #tpu.memory_space<hbm>> -> memref<1x632x40xf32, #tpu.memory_space<hbm>>
      %dma_wait3A_125 = tpu.memref_squeeze %dma_wait3A_124 : memref<1x632x40xf32, #tpu.memory_space<hbm>> -> memref<632x40xf32, #tpu.memory_space<hbm>>
      %dma_wait3A_126 = arith.constant 0 : i32
      %dma_wait3A_127 = tpu.memref_slice %arg9[%mul3A_2, %dma_wait3A_126] : memref<10112x40xf32, #tpu.memory_space<vmem_shared>> -> memref<632x40xf32, #tpu.memory_space<vmem_shared>>
      tpu.wait_dma2 semaphore(%run_scoped3A_117 : memref<!tpu.dma_semaphore, #tpu.memory_space<semaphore_mem>>) src(%dma_wait3A_127 : memref<632x40xf32, #tpu.memory_space<vmem_shared>>) dst(%dma_wait3A_125 : memref<632x40xf32, #tpu.memory_space<hbm>>)
      tpu.yield
    }) : () -> ()
    return
  }
}

module attributes {stable_mosaic.version = 14 : i64} {
  func.func @_proj_body(%arg0: memref<10000x128xf32, #tpu.memory_space<vmem>>, %arg1: memref<10000x1xf32, #tpu.memory_space<vmem>>, %arg2: memref<128x128xf32, #tpu.memory_space<vmem>>, %arg3: memref<128x40xf32, #tpu.memory_space<vmem>>, %arg4: memref<8x128xf32, #tpu.memory_space<vmem>>, %arg5: memref<10000x40xf32, #tpu.memory_space<vmem>>, %arg6: memref<8x40xf32, #tpu.memory_space<vmem>>) attributes {dimension_semantics = [], scalar_prefetch = 0 : i64, scratch_operands = 0 : i64, tpu.core_type = #tpu.core_type<tc>} {
    %get3A = arith.constant 0 : index
    %get3A_0 = arith.constant 0 : index
    %get3A_1 = vector.load %arg2[%get3A, %get3A_0] : memref<128x128xf32, #tpu.memory_space<vmem>>, vector<128x128xf32>
    %get3A_2 = arith.constant 0 : index
    %get3A_3 = arith.constant 0 : index
    %get3A_4 = vector.load %arg3[%get3A_2, %get3A_3] : memref<128x40xf32, #tpu.memory_space<vmem>>, vector<128x40xf32>
    %dot_general3A = arith.constant dense<0.000000e+00> : vector<128x40xf32>
    %dot_general3A_5 = tpu.matmul %get3A_1, %get3A_4, %dot_general3A {dimension_numbers = #tpu.dot_dimension_numbers<[1], [0], [0], [1], [0, 0, 1, 1], [], []>, transpose_lhs_hint = false} : vector<128x128xf32>, vector<128x40xf32>, vector<128x40xf32> -> vector<128x40xf32>
    %get3A_6 = arith.constant 0 : index
    %get3A_7 = arith.constant 0 : index
    %get3A_8 = vector.load %arg0[%get3A_6, %get3A_7] : memref<10000x128xf32, #tpu.memory_space<vmem>>, vector<10000x128xf32>
    %get3A_9 = arith.constant 0 : index
    %get3A_10 = arith.constant 0 : index
    %get3A_11 = vector.load %arg1[%get3A_9, %get3A_10] : memref<10000x1xf32, #tpu.memory_space<vmem>>, vector<10000x1xf32>
    %mul3A = vector.broadcast %get3A_11 : vector<10000x1xf32> to vector<10000x128xf32>
    %mul3A_12 = arith.mulf %get3A_8, %mul3A : vector<10000x128xf32>
    %dot_general3A_13 = arith.constant dense<0.000000e+00> : vector<10000x40xf32>
    %dot_general3A_14 = tpu.matmul %mul3A_12, %dot_general3A_5, %dot_general3A_13 {dimension_numbers = #tpu.dot_dimension_numbers<[1], [0], [0], [1], [0, 0, 1, 1], [], []>, transpose_lhs_hint = false} : vector<10000x128xf32>, vector<128x40xf32>, vector<10000x40xf32> -> vector<10000x40xf32>
    %swap3A = arith.constant 0 : index
    %swap3A_15 = arith.constant 0 : index
    %swap3A_16 = vector.load %arg5[%swap3A, %swap3A_15] : memref<10000x40xf32, #tpu.memory_space<vmem>>, vector<10000x40xf32>
    tpu.vector_store %arg5[%swap3A, %swap3A_15], %dot_general3A_14 {strides = array<i32>} : memref<10000x40xf32, #tpu.memory_space<vmem>>, vector<10000x40xf32>,
    %get3A_17 = arith.constant 0 : index
    %get3A_18 = arith.constant 0 : index
    %get3A_19 = vector.load %arg4[%get3A_17, %get3A_18] : memref<8x128xf32, #tpu.memory_space<vmem>>, vector<8x128xf32>
    %get3A_20 = arith.constant 0 : index
    %get3A_21 = arith.constant 0 : index
    %get3A_22 = vector.load %arg3[%get3A_20, %get3A_21] : memref<128x40xf32, #tpu.memory_space<vmem>>, vector<128x40xf32>
    %dot_general3A_23 = arith.constant dense<0.000000e+00> : vector<8x40xf32>
    %dot_general3A_24 = tpu.matmul %get3A_19, %get3A_22, %dot_general3A_23 {dimension_numbers = #tpu.dot_dimension_numbers<[1], [0], [0], [1], [0, 0, 1, 1], [], []>, transpose_lhs_hint = false} : vector<8x128xf32>, vector<128x40xf32>, vector<8x40xf32> -> vector<8x40xf32>
    %swap3A_25 = arith.constant 0 : index
    %swap3A_26 = arith.constant 0 : index
    %swap3A_27 = vector.load %arg6[%swap3A_25, %swap3A_26] : memref<8x40xf32, #tpu.memory_space<vmem>>, vector<8x40xf32>
    tpu.vector_store %arg6[%swap3A_25, %swap3A_26], %dot_general3A_24 {strides = array<i32>} : memref<8x40xf32, #tpu.memory_space<vmem>>, vector<8x40xf32>,
    return
  }
}

module attributes {stable_mosaic.version = 14 : i64} {
  func.func @_mid_body(%arg0: memref<2x3160x128xf32, #tpu.memory_space<vmem>>, %arg1: memref<3160x128xf32, #tpu.memory_space<vmem>>, %arg2: memref<3160x128xf32, #tpu.memory_space<vmem>>, %arg3: memref<3160x128xf32, #tpu.memory_space<vmem>>) attributes {dimension_semantics = [], scalar_prefetch = 0 : i64, scratch_operands = 0 : i64, tpu.core_type = #tpu.core_type<tc>} {
    %get3A = arith.constant 0 : index
    %get3A_0 = arith.constant 0 : index
    %get3A_1 = arith.constant 0 : index
    %get3A_2 = vector.load %arg0[%get3A, %get3A_0, %get3A_1] : memref<2x3160x128xf32, #tpu.memory_space<vmem>>, vector<1x3160x128xf32>
    %get3A_3 = vector.shape_cast %get3A_2 : vector<1x3160x128xf32> to vector<3160x128xf32>
    %get3A_4 = arith.constant 1 : index
    %get3A_5 = arith.constant 0 : index
    %get3A_6 = arith.constant 0 : index
    %get3A_7 = vector.load %arg0[%get3A_4, %get3A_5, %get3A_6] : memref<2x3160x128xf32, #tpu.memory_space<vmem>>, vector<1x3160x128xf32>
    %get3A_8 = vector.shape_cast %get3A_7 : vector<1x3160x128xf32> to vector<3160x128xf32>
    %add3A = arith.addf %get3A_3, %get3A_8 : vector<3160x128xf32>
    %get3A_9 = arith.constant 0 : index
    %get3A_10 = arith.constant 0 : index
    %get3A_11 = vector.load %arg1[%get3A_9, %get3A_10] : memref<3160x128xf32, #tpu.memory_space<vmem>>, vector<3160x128xf32>
    %mul3A = arith.mulf %add3A, %get3A_11 : vector<3160x128xf32>
    %get3A_12 = arith.constant 0 : index
    %get3A_13 = arith.constant 0 : index
    %get3A_14 = vector.load %arg2[%get3A_12, %get3A_13] : memref<3160x128xf32, #tpu.memory_space<vmem>>, vector<3160x128xf32>
    %add3A_15 = arith.addf %mul3A, %get3A_14 : vector<3160x128xf32>
    %swap3A = arith.constant 0 : index
    %swap3A_16 = arith.constant 0 : index
    %swap3A_17 = vector.load %arg3[%swap3A, %swap3A_16] : memref<3160x128xf32, #tpu.memory_space<vmem>>, vector<3160x128xf32>
    tpu.vector_store %arg3[%swap3A, %swap3A_16], %add3A_15 {strides = array<i32>} : memref<3160x128xf32, #tpu.memory_space<vmem>>, vector<3160x128xf32>,
    return
  }
}

module attributes {stable_mosaic.version = 14 : i64} {
  func.func @_fin_body(%arg0: memref<2x3160x128xf32, #tpu.memory_space<vmem>>, %arg1: memref<3125x128xf32, #tpu.memory_space<vmem>>, %arg2: memref<3125x128xf32, #tpu.memory_space<vmem>>, %arg3: memref<3125x128xf32, #tpu.memory_space<vmem>>) attributes {dimension_semantics = [], scalar_prefetch = 0 : i64, scratch_operands = 0 : i64, tpu.core_type = #tpu.core_type<tc>} {
    %get3A = arith.constant 0 : index
    %get3A_0 = arith.constant 0 : index
    %get3A_1 = arith.constant 0 : index
    %get3A_2 = vector.load %arg0[%get3A, %get3A_0, %get3A_1] : memref<2x3160x128xf32, #tpu.memory_space<vmem>>, vector<1x3125x128xf32>
    %get3A_3 = vector.shape_cast %get3A_2 : vector<1x3125x128xf32> to vector<3125x128xf32>
    %get3A_4 = arith.constant 1 : index
    %get3A_5 = arith.constant 0 : index
    %get3A_6 = arith.constant 0 : index
    %get3A_7 = vector.load %arg0[%get3A_4, %get3A_5, %get3A_6] : memref<2x3160x128xf32, #tpu.memory_space<vmem>>, vector<1x3125x128xf32>
    %get3A_8 = vector.shape_cast %get3A_7 : vector<1x3125x128xf32> to vector<3125x128xf32>
    %add3A = arith.addf %get3A_3, %get3A_8 : vector<3125x128xf32>
    %get3A_9 = arith.constant 0 : index
    %get3A_10 = arith.constant 0 : index
    %get3A_11 = vector.load %arg1[%get3A_9, %get3A_10] : memref<3125x128xf32, #tpu.memory_space<vmem>>, vector<3125x128xf32>
    %mul3A = arith.mulf %add3A, %get3A_11 : vector<3125x128xf32>
    %get3A_12 = arith.constant 0 : index
    %get3A_13 = arith.constant 0 : index
    %get3A_14 = vector.load %arg2[%get3A_12, %get3A_13] : memref<3125x128xf32, #tpu.memory_space<vmem>>, vector<3125x128xf32>
    %add3A_15 = arith.addf %mul3A, %get3A_14 : vector<3125x128xf32>
    %swap3A = arith.constant 0 : index
    %swap3A_16 = arith.constant 0 : index
    %swap3A_17 = vector.load %arg3[%swap3A, %swap3A_16] : memref<3125x128xf32, #tpu.memory_space<vmem>>, vector<3125x128xf32>
    tpu.vector_store %arg3[%swap3A, %swap3A_16], %add3A_15 {strides = array<i32>} : memref<3125x128xf32, #tpu.memory_space<vmem>>, vector<3125x128xf32>,
    return
  }
}

</mosaic_0001>

<sc_bundles>
// kernel: kernel.10.cloned.1.call-start
scs
__scs_entry_jumppad:
0x0: {  	(pc) =	sbr.rel $0x88, $3  }
0x1: {  	(tag) =	ssettag $0x0;
	lr =	simm.s32 $0x1  }
0x2: {  	[smem:$0x3F9A] =	sst lr;
	_ =	strace $0xD0000000  }
0x3: {  	_ = 	snop  }
0x4: {  	_ = 	snop  }
0x5: {  	_ = 	snop  }
0x6: {  	_ = 	snop  }
0x7: {  	_ = 	snop  }
__scs_overlays_trampoline_lowered:
0x8: {  	[smem:$0x3FA9] =	sst s0  }
0x9: {  	[smem:$0x3FAA] =	sst s1  }
0xa: {  	[smem:$0x3FAB] =	sst s2  }
0xb: {  	[smem:$0x3FAC] =	sst s3  }
0xc: {  	[smem:$0x3FAD] =	sst s4  }
0xd: {  	[smem:$0x3FAE] =	sst s5  }
0xe: {  	[smem:$0x3FAF] =	sst s6  }
0xf: {  	[smem:$0x3FB0] =	sst s7  }
0x10: {  	[smem:$0x3FB1] =	sst s8  }
0x11: {  	[smem:$0x3FB2] =	sst s9;
	s0 =	simm.s32 @!p0 $0x0  }
0x12: {  	s1 =	sld [smem:$0x3F98];
	s0 =	simm.s32 @p0 $0x1  }
0x13: {  	[smem:$0x3FB3] =	sst s0;
	s0 =	simm.s32 @!p1 $0x0  }
0x14: {  	s2 =	sld [smem:$0x3F97];
	s0 =	simm.s32 @p1 $0x1  }
0x15: {  	[smem:$0x3FB4] =	sst s0;
	s0 =	simm.s32 @!p2 $0x0  }
0x16: {  	s3 =	sld [smem:$0x3FDB];
	s0 =	simm.s32 @p2 $0x1  }
0x17: {  	s4 =	simm.s32 $0x1BF5;
	[smem:$0x3FB6] =	sst s0  }
0x18: {  	s0 =	sld [smem:$0x3F99];
	_ =	swait.ge [sflag:s4], $0x0  }
0x19: {  	s7 =	sld [smem:$0x3F9A]  }
0x1a: {  	s8 =	sadd.s32 $0xFFFFE003, lr  }
0x1b: {  	s9 =	sadd.s32 $0xFFFFFEF7, lr;
	s5 =	simm.s32 $0xFFFFFFFF;
	p2 =	slt.u32 s8, $0xFFFFF086  }
0x1c: {  	p1 =	slt.u32 s9, $0xF7A;
	s5 =	simm.s32 @!p2 $0x0  }
0x1d: {  	s5 =	simm.s32 @p1 $0x1;
	p0 =	seq.s32 s7, s2  }
0x1e: {  	s7 =	smul.u32 @!p0 $0xF7A, s2;
	p2 =	seq.s32 @!p0 s5, $0x0  }
0x1f: {  	s9 =	smul.u32 $0xF7A, s1;
	s8 =	simm.s32 @!p0 $0x1BF5;
	p2 =	por !p2, p0  }
0x20: {  	[sflag:s8] =	ssyncset.s32 @!p0 $0xFFFFF086;
	s6 =	sadd.s32 @!p0 s3, s7;
	s7 =	simm.s32 @!p0 $0x108  }
0x21: {  	s3 =	sadd.s32 s3, s9;
	s6 =	sadd.s32 @!p0 $0x88, s6;
	s7 =	simm.s32 @p2 $0x1082  }
0x22: {  	[simem:s7], [sflag:s8] =	dma.local @!p0 [hbm:s6], $0xF7A  }
0x23: {  	s9 =	sor.u32 $0xD0000000, s2;
	s6 =	simm.s32 $0x108;
	_ =	swait.ge @!p0 [sflag:s8], $0x0  }
0x24: {  	s3 =	sadd.s32 $0x88, s3;
	s6 =	simm.s32 @!p1 $0x1082;
	[sflag:s4] =	ssyncset.s32 $0xFFFFF086  }
0x25: {  	[simem:s6], [sflag:s4] =	dma.local [hbm:s3], $0xF7A  }
0x26: {  	[smem:$0x3F9A] =	sst s1;
	(tag) =	ssettag s2;
	_ =	strace s9  }
0x27: {  	s1 =	sld [smem:$0x3FAA]  }
0x28: {  	s2 =	sld [smem:$0x3FAB]  }
0x29: {  	s4 =	sld [smem:$0x3FAD]  }
0x2a: {  	p0 =	seq.s32 s5, $0x0;
	s5 =	sld [smem:$0x3FAE]  }
0x2b: {  	s6 =	sld [smem:$0x3FAF]  }
0x2c: {  	s7 =	sld [smem:$0x3FB0]  }
0x2d: {  	s3 =	simm.s32 $0x108;
	s8 =	sld [smem:$0x3FB1]  }
0x2e: {  	s3 =	simm.s32 @!p0 $0x1082;
	s9 =	sld [smem:$0x3FB2]  }
0x2f: {  	lr =	sadd.s32 s0, s3;
	s0 =	sld [smem:$0x3FA9]  }
0x30: {  	s3 =	sld [smem:$0x3FAC]  }
0x31: {  	[smem:$0x3FB5] =	sst s10  }
0x32: {  	s10 =	sld [smem:$0x3FB3];
	_ =	sdelay $0x3  }
0x33: {  	p0 =	seq.s32 s10, $0x1;
	s10 =	sld [smem:$0x3FB5];
	_ =	sdelay $0x3  }
0x34: {  	[smem:$0x3FB5] =	sst s10  }
0x35: {  	s10 =	sld [smem:$0x3FB4];
	_ =	sdelay $0x3  }
0x36: {  	p1 =	seq.s32 s10, $0x1;
	s10 =	sld [smem:$0x3FB5];
	_ =	sdelay $0x3  }
0x37: {  	[smem:$0x3FB5] =	sst s10  }
0x38: {  	s10 =	sld [smem:$0x3FB6]  }
0x39: {  	_ = 	snop;
	(pc) =	sbr.ind lr, $3  }
0x3a: {  	_ = 	snop  }
0x3b: {  	_ = 	snop  }
0x3c: {  	p2 =	seq.s32 s10, $0x1;
	s10 =	sld [smem:$0x3FB5]  }
0x3d: {  	_ =	shalt  }
0x3e: {  	_ =	shalt  }
0x3f: {  	_ =	shalt  }
0x40: {  	_ =	shalt  }
0x41: {  	_ =	shalt  }
0x42: {  	_ =	shalt  }
0x43: {  	_ =	shalt  }
0x44: {  	_ =	shalt  }
0x45: {  	_ =	shalt  }
0x46: {  	_ =	shalt  }
0x47: {  	_ =	shalt  }
0x48: {  	_ =	shalt  }
0x49: {  	_ =	shalt  }
0x4a: {  	_ =	shalt  }
0x4b: {  	_ =	shalt  }
0x4c: {  	_ =	shalt  }
0x4d: {  	_ =	shalt  }
0x4e: {  	_ =	shalt  }
0x4f: {  	_ =	shalt  }
0x50: {  	_ =	shalt  }
0x51: {  	_ =	shalt  }
0x52: {  	_ =	shalt  }
0x53: {  	_ =	shalt  }
0x54: {  	_ =	shalt  }
0x55: {  	_ =	shalt  }
0x56: {  	_ =	shalt  }
0x57: {  	_ =	shalt  }
0x58: {  	_ =	shalt  }
0x59: {  	_ =	shalt  }
0x5a: {  	_ =	shalt  }
0x5b: {  	_ =	shalt  }
0x5c: {  	_ =	shalt  }
0x5d: {  	_ =	shalt  }
0x5e: {  	_ =	shalt  }
0x5f: {  	_ =	shalt  }
0x60: {  	_ =	shalt  }
0x61: {  	_ =	shalt  }
0x62: {  	_ =	shalt  }
0x63: {  	_ =	shalt  }
0x64: {  	_ =	shalt  }
0x65: {  	_ =	shalt  }
0x66: {  	_ =	shalt  }
0x67: {  	_ =	shalt  }
0x68: {  	_ =	shalt  }
0x69: {  	_ =	shalt  }
0x6a: {  	_ =	shalt  }
0x6b: {  	_ =	shalt  }
0x6c: {  	_ =	shalt  }
0x6d: {  	_ =	shalt  }
0x6e: {  	_ =	shalt  }
0x6f: {  	_ =	shalt  }
0x70: {  	_ =	shalt  }
0x71: {  	_ =	shalt  }
0x72: {  	_ =	shalt  }
0x73: {  	_ =	shalt  }
0x74: {  	_ =	shalt  }
0x75: {  	_ =	shalt  }
0x76: {  	_ =	shalt  }
0x77: {  	_ =	shalt  }
0x78: {  	_ =	shalt  }
0x79: {  	_ =	shalt  }
0x7a: {  	_ =	shalt  }
0x7b: {  	_ =	shalt  }
0x7c: {  	_ =	shalt  }
0x7d: {  	_ =	shalt  }
0x7e: {  	_ =	shalt  }
0x7f: {  	_ =	shalt  }
0x80: {  	_ =	shalt  }
0x81: {  	_ =	shalt  }
0x82: {  	_ =	shalt  }
0x83: {  	_ =	shalt  }
0x84: {  	_ =	shalt  }
0x85: {  	_ =	shalt  }
0x86: {  	_ =	shalt  }
0x87: {  	_ =	shalt  }
.Lfunc_end0:
.L_simem_size_0:
called_computation.1_lowered:
.L_overlay_start_0:
0x88: {  	s2 =	sld [smem:$0x3FD9]  }
0x89: {  	s3 =	sld [smem:$0x3FFE];
	_ =	sdelay $0x1  }
0x8a: {  	s1 =	srdreg.scid  }
0x8b: {  	s0 =	sand.u32 $0x1, s1  }
0x8c: {  	s17 =	sshll.u32 s0, $0xA;
	s2 =	sadd.s32 s3, s2  }
0x8d: {  	s2 =	sadd.s32 s2, s17  }
0x8e: {  	[smem:$0x3FC1] =	sst s2  }
0x8f: {  	_ = 	snop  }
0x90: {  	s2 =	sld [smem:$0x3FD0];
	(tm) =	ssettm $0x1  }
0x91: {  	s18 =	sld [smem:$0x3FFB];
	_ =	sdelay $0x3  }
0x92: {  	_ =	strace s18  }
0x93: {  	s3 =	sld [smem:$0x3FFC];
	_ =	sdelay $0x3  }
0x94: {  	_ =	strace s3  }
0x95: {  	s3 =	sld [smem:$0x3FFD];
	_ =	sdelay $0x3  }
0x96: {  	_ =	strace s3  }
0x97: {  	_ =	strace $0x8FFFFFFF  }
0x98: {  	s19 =	sld [smem:$0x3FDB];
	_ =	sdelay $0x1  }
0x99: {  	s4 =	simm.s32 $_scs_section_size  }
0x9a: {  	s5 =	simm.s32 $_size__tile_overlayer_lowered;
	s6 =	simm.s32 $_tile_overlayer_lowered  }
0x9b: {  	s22 =	simm.s32 $0x1BFF;
	s21 =	sshll.u32 s6, $0x1;
	s3 =	sadd.s32 s4, s19  }
0x9c: {  	s7 =	simm.s32 $0x0;
	s20 =	sshll.u32 s5, $0x1;
	s5 =	sadd.s32 s21, s3  }
0x9d: {  	[timem:s7], [sflag:s22] =	dma.local [hbm:s5], s20  }
0x9e: {  	_ =	swait.ge [sflag:s22], s20  }
0x9f: {  	s4 =	ssub.s32 $0x0, s20;
	[sflag:s22] =	ssyncset.done $0x0  }
0xa0: {  	[sflag:s22] =	ssyncadd.s32 s4;
	_ =	sdelay $0x1  }
0xa1: {  	s23 =	simm.s32 $0x1B8B  }
0xa2: {  	_ =	swait.ge [sflag:s23], $0x1  }
0xa3: {  	[sflag:s23] =	ssyncset.done $0x0  }
0xa4: {  	s25 =	simm.s32 $0x1B8E;
	s24 =	sld [smem:$0x3FFE];
	[sflag:s23] =	ssyncadd.s32 $0xFFFFFFFF  }
0xa5: {  	s26 =	simm.s32 $execute0_lowered;
	[smem:$0x3FD2] =	sst s25  }
0xa6: {  	s5 =	sshll.u32 s26, $0x1;
	_ =	strace $0x80000049;
	[dreg:$0x1] =	wrdreg $0xFFFFFFFF  }
0xa7: {  	s28 =	simm.s32 $_size_execute0_lowered;
	s3 =	sadd.s32 s3, s5;
	[dreg:$0x0] =	wrdreg $0x0  }
0xa8: {  	s5 =	sshll.u32 s28, $0x1;
	[dreg:$0x2] =	wrdreg s3  }
0xa9: {  	[dreg:$0x3] =	wrdreg s5  }
0xaa: {  	[dreg:$0x4] =	wrdreg $0xC0  }
0xab: {  	_ =	task [dreg:s7], $0x5FFFF  }
0xac: {  	[dreg:$0x1] =	wrdreg $0xFFFFFFFF  }
0xad: {  	[dreg:$0x0] =	wrdreg $0x60  }
0xae: {  	[dreg:$0x2] =	wrdreg s24  }
0xaf: {  	[dreg:$0x3] =	wrdreg s2  }
0xb0: {  	[dreg:$0x4] =	wrdreg $0x190000  }
0xb1: {  	[dreg:$0x5] =	wrdreg $0x9  }
0xb2: {  	_ =	task.clear_ibuf [dreg:s7], $0x6FFFF;
	_ =	strace $0x90000049  }
0xb3: {  	s29 =	simm.s32 $0x9;
	_ =	strace $0x8000004B  }
0xb4: {  	_ =	swait.ge [sflag:s29], $0x1  }
0xb5: {  	[sflag:s29] =	ssyncadd.s32 $0xFFFFFFFF  }
0xb6: {  	_ =	strace $0x9000004B  }
0xb7: {  	_ =	sfence  }
0xb8: {  	s30 =	sld [smem:$0x0];
	_ =	sdelay $0x2  }
0xb9: {  	s31 =	sshll.u32 s1, $0xD;
	s1 =	sshrl.u32 s1, $0x2  }
0xba: {  	s3 =	sand.u32 $0x4000, s31;
	s1 =	sadd.s32 s1, s30  }
0xbb: {  	s0 =	sor.u32 s3, s0;
	s1 =	sshll.u32 s1, $0x11  }
0xbc: {  	s0 =	sor.u32 s1, s0  }
0xbd: {  	s0 =	sadd.s32 $0x8F2B, s0  }
0xbe: {  	[sflag:s0] =	ssyncadd.remote.s32 $0x1  }
0xbf: {  	_ =	sfence.sel $0xFFFF  }
0xc0: {  	[dreg:$0x0] =	wrdreg $0xFFFFFFFF;
	(pc) =	sbr.abs _section_cstart, $3  }
0xc1: {  	[dreg:$0x1] =	wrdreg $0xFFFFFFFF  }
0xc2: {  	_ =	task.clear_ibuf [dreg:s7], $0x2FFFF;
	_ =	strace $0x9FFFFFFF  }
0xc3: {  	(tm) =	ssettm $0x7FFFFFFF  }
tec
execute0_lowered:
.L_overlay_start_1:
0x0: {  	(tag) =	ssettag $0x1  }
0x1: {  	s0 =	rddreg [dreg:$0x0]  }
0x2: {  	s1 =	rddreg [dreg:$0x1]  }
0x3: {  	s2 =	rddreg [dreg:$0x2]  }
0x4: {  	s4 =	srdreg.scid;
	s14 =	stileid.u32  }
0x5: {  	s3 =	simm.s32 $0x0;
	s15 =	simm.s32 $0x2800;
	s16 =	simm.s32 $0x100  }
0x6: {  	s17 =	simm.s32 $0x5000;
	s18 =	simm.s32 $0x7800;
	s20 =	simm.s32 $0xA000  }
0x7: {  	s25 =	simm.s32 $0x1;
	s19 =	simm.s32 $0x16800;
	s21 =	simm.s32 $0x2  }
0x8: {  	s22 =	simm.s32 $0x0;
	s5 =	sand.u32 $0x1, s4;
	s6 =	smul.u32 $0x62C0, s14  }
0x9: {  	[smem:$0x7FF] =	sst s3;
	s4 =	sadd.s32 $0x20E00, s0;
	s8 =	sshll.u32 s14, $0x1  }
0xa: {  	p0 =	seq.s32 s14, $0xF;
	s31 =	sshll.u32 s14, $0x6;
	s14 =	simm.s32 $0x3  }
0xb: {  	s7 =	smul.u32 $0x62C00, s5;
	s9 =	ssub.s32 $0x2, s5;
	s5 =	sor.u32 s5, s8  }
0xc: {  	_ =	strace $0x8000004A;
	s29 =	sshrl.u32 s9, $0x1;
	s10 =	smul.u32 $0x27, s5  }
0xd: {  	s30 =	smax.u32 s5, $0x1E;
	s5 =	simm.s32 $0x28;
	s13 =	sadd.s32 s6, s2  }
0xe: {  	s7 =	sadd.s32 s6, s7;
	s12 =	ssub.s32 s9, s29;
	s5 =	simm.s32 @!p0 $0x27  }
0xf: {  	s6 =	sshrl.u32 s6, $0x3;
	s13 =	sshrl.u32 s13, $0x3;
	s7 =	sshrl.u32 s7, $0x3  }
0x10: {  	s6 =	sadd.s32 s1, s6;
	s11 =	sadd.s32 s7, s0;
	s7 =	sadd.s32 s10, s30  }
0x11: {  	s1 =	simm.s32 $0x700;
	s7 =	sshll.u32 s7, $0x5;
	s10 =	sadd.s32 $0x2D400, s11  }
0x12: {  	s11 =	smax.u32 s12, $0x1;
	s12 =	sadd.s32 $0xFFFFFFFD, s5;
	s0 =	sadd.s32 s0, s7  }
0x13: {  	s7 =	sor.u32 $0x1C03, s31;
	s8 =	sadd.s32 $0xD040, s0;
	s9 =	sadd.s32 $0x16C80, s0  }
.LBB2_1:
0x14: {  	[spmem:s13], [sflag:s7] =	dma.local [hbm:s6], $0xC58  }
0x15: {  	_ =	swait.ge [sflag:s14], $0xC58  }
0x16: {  	[sflag:s14] =	ssyncset.done $0x0  }
0x17: {  	[sflag:s14] =	ssyncadd.s32 $0xFFFFF3A8  }
0x18: {  	[tilespmem:s3], [sflag:$0x3] =	stream.linear.gather [hbm4b:s8+s3], $0x2800, $0x38;
	[tilespmem:$0x1F2C0] =	vst v63  }
0x19: {  	_ =	swait.ge [sflag:s14], $0x2800  }
0x1a: {  	[sflag:s14] =	ssyncset.done $0x0  }
0x1b: {  	[sflag:s14] =	ssyncadd.s32 $0xFFFFD800  }
0x1c: {  	[tilespmem:s15], [sflag:$0x3] =	stream.linear.gather [hbm4b:s9+s3], $0x2800, $0x38;
	[tilespmem:$0x1F2C0] =	vst v63  }
0x1d: {  	_ =	swait.ge [sflag:s14], $0x2800  }
0x1e: {  	[sflag:s14] =	ssyncset.done $0x0  }
0x1f: {  	[sflag:s14] =	ssyncadd.s32 $0xFFFFD800  }
0x20: {  	[bflag:$0x0] =	sbarrier.arrive $0xFFFF  }
0x21: {  	[tilespmem:s17], [sflag:$0x1] =	stream.indirect.gather [hbm4b:s4+s16], $0x28, s3, s16, $0xb8;
	[tilespmem:$0x1F2C0] =	vst v63  }
0x22: {  	_ = 	snop  }
0x23: {  	[tilespmem:s18], [sflag:$0x1] =	stream.indirect.gather [hbm4b:s4+s16], $0x28, s16, s16, $0xb8;
	[tilespmem:$0x1F2C0] =	vst v63  }
0x24: {  	s0 =	simm.s32 $0x200  }
0x25: {  	[tilespmem:s20], [sflag:$0x1] =	stream.indirect.gather [hbm4b:s4+s16], $0x28, s0, s16, $0xb8;
	[tilespmem:$0x1F2C0] =	vst v63  }
0x26: {  	s24 =	simm.s32 $0x300;
	s23 =	simm.s32 $0xC800  }
0x27: {  	[tilespmem:s23], [sflag:$0x1] =	stream.indirect.gather [hbm4b:s4+s16], $0x28, s24, s16, $0xb8;
	[tilespmem:$0x1F2C0] =	vst v63  }
0x28: {  	s26 =	simm.s32 $0x400;
	s31 =	simm.s32 $0xF000  }
0x29: {  	[tilespmem:s31], [sflag:$0x1] =	stream.indirect.gather [hbm4b:s4+s16], $0x28, s26, s16, $0xb8;
	[tilespmem:$0x1F2C0] =	vst v63  }
0x2a: {  	_ =	swait.ge [sflag:s25], $0x2800  }
0x2b: {  	[sflag:s25] =	ssyncset.done $0x0  }
0x2c: {  	[sflag:s25] =	ssyncadd.s32 $0xFFFFD800  }
0x2d: {  	[spmem:s2] =	stream.indirect.scatter.add.f32 [tilespmem:s17], [sflag:$0x2], $0x28, s15, s16, $0xb8;
	[tilespmem:$0x1F2C0] =	vst v63  }
0x2e: {  	s24 =	simm.s32 $0x500;
	s26 =	simm.s32 $0x11800  }
0x2f: {  	[tilespmem:s26], [sflag:$0x1] =	stream.indirect.gather [hbm4b:s4+s16], $0x28, s24, s16, $0xb8;
	[tilespmem:$0x1F2C0] =	vst v63  }
0x30: {  	_ =	swait.ge [sflag:s25], $0x2800  }
0x31: {  	[sflag:s25] =	ssyncset.done $0x0  }
0x32: {  	s31 =	simm.s32 $0x2900;
	[sflag:s25] =	ssyncadd.s32 $0xFFFFD800  }
0x33: {  	[spmem:s2] =	stream.indirect.scatter.add.f32 [tilespmem:s18], [sflag:$0x2], $0x28, s31, s16, $0xb8;
	[tilespmem:$0x1F2C0] =	vst v63  }
0x34: {  	s23 =	simm.s32 $0x600;
	s24 =	simm.s32 $0x14000  }
0x35: {  	[tilespmem:s24], [sflag:$0x1] =	stream.indirect.gather [hbm4b:s4+s16], $0x28, s23, s16, $0xb8;
	[tilespmem:$0x1F2C0] =	vst v63  }
0x36: {  	s29 =	simm.s32 $0x8;
	_ =	swait.ge [sflag:s25], $0x2800  }
0x37: {  	p0 =	sle.u32 s5, $0x8;
	s31 =	simm.s32 $0x3;
	[sflag:s25] =	ssyncset.done $0x0  }
0x38: {  	s26 =	simm.s32 $0x2A00;
	s24 =	sand.u32 $0x7, s31;
	[sflag:s25] =	ssyncadd.s32 $0xFFFFD800  }
0x39: {  	[spmem:s2] =	stream.indirect.scatter.add.f32 [tilespmem:s20], [sflag:$0x2], $0x28, s26, s16, $0xb8;
	[tilespmem:$0x1F2C0] =	vst v63  }
0x3a: {  	s29 =	sand.u32 @!p0 $0x7, s29;
	s28 =	smul.u32 $0xA000, s24  }
0x3b: {  	[tilespmem:s19], [sflag:$0x1] =	stream.indirect.gather [hbm4b:s4+s16], $0x28, s1, s16, $0xb8;
	[tilespmem:$0x1F2C0] =	vst v63  }
0x3c: {  	p1 =	sne.s32 s12, $0x1;
	s29 =	smul.u32 @!p0 $0xA000, s29;
	_ =	swait.ge [sflag:s25], $0x2800  }
0x3d: {  	s28 =	sshrl.u32 s28, $0x2;
	s26 =	simm.s32 $0x2B00;
	[sflag:s25] =	ssyncset.done $0x0  }
.Ltmp0:
0x3e: {  	s28 =	sadd.s32 $0x5000, s28;
	[sflag:s25] =	ssyncadd.s32 $0xFFFFD800;
	(pc) =	sbr.rel @!p1 .LBB2_3-.Ltmp0, $4  }
0x3f: {  	[spmem:s2] =	stream.indirect.scatter.add.f32 [tilespmem:s28], [sflag:$0x2], $0x28, s26, s16, $0xb8;
	[tilespmem:$0x1F2C0] =	vst v63  }
0x40: {  	s30 =	sshrl.u32 @!p0 s29, $0x2;
	s29 =	simm.s32 @!p0 $0x100;
	_ =	swait.ge [sflag:s21], $0x2800  }
0x41: {  	s23 =	simm.s32 $0x800;
	s24 =	simm.s32 $0x1;
	[sflag:s21] =	ssyncset.done $0x0  }
0x42: {  	s26 =	simm.s32 $0x900;
	s28 =	simm.s32 $0x2C00;
	[sflag:s21] =	ssyncadd.s32 $0xFFFFD800  }
.LBB2_2:
0x43: {  	s31 =	sadd.s32 $0x3, s24  }
0x44: {  	s30 =	sadd.s32 @!p0 $0x5000, s30;
	s0 =	smov.u32 s24;
	s24 =	sadd.s32 $0x1, s24  }
0x45: {  	[tilespmem:s30], [sflag:$0x1] =	stream.indirect.gather @!p0 [hbm4b:s4+s29], $0x28, s23, s29, $0xb8;
	[tilespmem:$0x1F2C0] =	vst v63  }
0x46: {  	s29 =	sand.u32 $0x7, s31;
	p1 =	sne.s32 s12, s24;
	s23 =	smov.u32 s26  }
0x47: {  	s0 =	sadd.s32 $0x8, s0;
	s29 =	smul.u32 $0xA000, s29  }
0x48: {  	p0 =	sge.u32 s0, s5;
	_ =	swait.ge [sflag:s25], $0x2800  }
0x49: {  	s0 =	sand.u32 @!p0 $0x7, s0;
	s29 =	sshrl.u32 s29, $0x2;
	[sflag:s25] =	ssyncset.done $0x0  }
.Ltmp1:
0x4a: {  	s29 =	sadd.s32 $0x5000, s29;
	[sflag:s25] =	ssyncadd.s32 $0xFFFFD800;
	(pc) =	sbr.rel @p1 .LBB2_2-.Ltmp1, $4  }
0x4b: {  	[spmem:s2] =	stream.indirect.scatter.add.f32 [tilespmem:s29], [sflag:$0x2], $0x28, s28, s16, $0xb8;
	[tilespmem:$0x1F2C0] =	vst v63  }
0x4c: {  	s0 =	smul.u32 @!p0 $0xA000, s0;
	_ =	swait.ge [sflag:s21], $0x2800  }
0x4d: {  	s26 =	sadd.s32 $0x100, s26;
	s28 =	sadd.s32 $0x100, s28;
	[sflag:s21] =	ssyncset.done $0x0  }
0x4e: {  	s30 =	sshrl.u32 @!p0 s0, $0x2;
	s29 =	simm.s32 @!p0 $0x100;
	[sflag:s21] =	ssyncadd.s32 $0xFFFFD800  }
.LBB2_3:
0x4f: {  	s0 =	sadd.s32 @!p0 $0x5000, s30  }
0x50: {  	[tilespmem:s0], [sflag:$0x1] =	stream.indirect.gather @!p0 [hbm4b:s4+s29], $0x28, s23, s29, $0xb8;
	[tilespmem:$0x1F2C0] =	vst v63  }
0x51: {  	_ =	swait.ge [sflag:s21], $0x2800  }
0x52: {  	[sflag:s21] =	ssyncset.done $0x0  }
0x53: {  	[sflag:s21] =	ssyncadd.s32 $0xFFFFD800  }
0x54: {  	_ =	swait.ge [sflag:s21], $0x2800  }
0x55: {  	[sflag:s21] =	ssyncset.done $0x0  }
0x56: {  	[sflag:s21] =	ssyncadd.s32 $0xFFFFD800  }
0x57: {  	_ =	swait.ge [sflag:s21], $0x2800  }
0x58: {  	s22 =	sadd.s32 $0x1, s22;
	[sflag:s21] =	ssyncset.done $0x0  }
0x59: {  	p0 =	sne.s32 s22, s11;
	[sflag:s21] =	ssyncadd.s32 $0xFFFFD800  }
.Ltmp2:
0x5a: {  	[bflag:$0x0] =	sbarrier.arrive $0xFFFF;
	(pc) =	sbr.rel @p0 .LBB2_1-.Ltmp2, $4  }
0x5b: {  	[hbm:s10], [sflag:s7] =	dma.local [spmem:s13], $0xC58  }
0x5c: {  	_ =	swait.ge [sflag:s14], $0xC58  }
0x5d: {  	[sflag:s14] =	ssyncset.done $0x0  }
0x5e: {  	[sflag:s14] =	ssyncadd.s32 $0xFFFFF3A8  }
0x5f: {  	_ =	sfence.sel $0x180000  }
0x60: {  	[bflag:$0x0] =	sbarrier.arrive $0xFFFF  }
0x61: {  	_ =	strace $0x9000004A  }
0x62: {  	s0 =	stileid.u32;
	[bflag:$0x2] =	sbarrier.arrive $0xFFFF  }
0x63: {  	p0 =	sne.s32 s0, $0x0;
	s0 =	rddreg [dreg:$0x3]  }
0x64: {  	s0 =	sadd.s32 @!p0 $0x100000, s0  }
0x65: {  	[sflag:s0] =	ssyncadd.tile.s32 @!p0 $0x1;
	_ =	shalt  }
.Lfunc_end2:
_tile_overlayer_lowered:
.L_overlay_start_2:
0x66: {  	(tag) =	ssettag $0x2  }
0x67: {  	s0 =	rddreg [dreg:$0x0];
	s2 =	stileid.u32  }
0x68: {  	s1 =	rddreg [dreg:$0x1];
	p0 =	sne.s32 s2, $0x0  }
0x69: {  	s3 =	rddreg [dreg:$0x2];
	[bflag:$0x3] =	sbarrier.arrive $0xFFFF;
	s2 =	simm.s32 @!p0 $0x1C03  }
0x6a: {  	[timem:s3], [sflag:s2] =	dma.local @!p0 [hbm:s0], s1  }
0x6b: {  	s0 =	simm.s32 @!p0 $0x3  }
0x6c: {  	_ =	swait.ge @!p0 [sflag:s0], s1  }
0x6d: {  	s1 =	ssub.s32 @!p0 $0x0, s1;
	[sflag:s0] =	ssyncset.done @!p0 $0x0  }
0x6e: {  	[sflag:s0] =	ssyncadd.s32 @!p0 s1  }
0x6f: {  	[bflag:$0x3] =	sbarrier.arrive $0xFFFF  }
0x70: {  	_ =	shalt  }

// kernel: kernel.7.cloned.1.call-start
scs
__scs_entry_jumppad:
0x0: {  	(pc) =	sbr.rel $0x88, $3  }
0x1: {  	(tag) =	ssettag $0x0;
	lr =	simm.s32 $0x1  }
0x2: {  	[smem:$0x3F9A] =	sst lr;
	_ =	strace $0xD0000000  }
0x3: {  	_ = 	snop  }
0x4: {  	_ = 	snop  }
0x5: {  	_ = 	snop  }
0x6: {  	_ = 	snop  }
0x7: {  	_ = 	snop  }
__scs_overlays_trampoline_lowered:
0x8: {  	[smem:$0x3FA9] =	sst s0  }
0x9: {  	[smem:$0x3FAA] =	sst s1  }
0xa: {  	[smem:$0x3FAB] =	sst s2  }
0xb: {  	[smem:$0x3FAC] =	sst s3  }
0xc: {  	[smem:$0x3FAD] =	sst s4  }
0xd: {  	[smem:$0x3FAE] =	sst s5  }
0xe: {  	[smem:$0x3FAF] =	sst s6  }
0xf: {  	[smem:$0x3FB0] =	sst s7  }
0x10: {  	[smem:$0x3FB1] =	sst s8  }
0x11: {  	[smem:$0x3FB2] =	sst s9;
	s0 =	simm.s32 @!p0 $0x0  }
0x12: {  	s1 =	sld [smem:$0x3F98];
	s0 =	simm.s32 @p0 $0x1  }
0x13: {  	[smem:$0x3FB3] =	sst s0;
	s0 =	simm.s32 @!p1 $0x0  }
0x14: {  	s2 =	sld [smem:$0x3F97];
	s0 =	simm.s32 @p1 $0x1  }
0x15: {  	[smem:$0x3FB4] =	sst s0;
	s0 =	simm.s32 @!p2 $0x0  }
0x16: {  	s3 =	sld [smem:$0x3FDB];
	s0 =	simm.s32 @p2 $0x1  }
0x17: {  	s4 =	simm.s32 $0x1BF5;
	[smem:$0x3FB6] =	sst s0  }
0x18: {  	s0 =	sld [smem:$0x3F99];
	_ =	swait.ge [sflag:s4], $0x0  }
0x19: {  	s7 =	sld [smem:$0x3F9A]  }
0x1a: {  	s8 =	sadd.s32 $0xFFFFE003, lr  }
0x1b: {  	s9 =	sadd.s32 $0xFFFFFEF7, lr;
	s5 =	simm.s32 $0xFFFFFFFF;
	p2 =	slt.u32 s8, $0xFFFFF086  }
0x1c: {  	p1 =	slt.u32 s9, $0xF7A;
	s5 =	simm.s32 @!p2 $0x0  }
0x1d: {  	s5 =	simm.s32 @p1 $0x1;
	p0 =	seq.s32 s7, s2  }
0x1e: {  	s7 =	smul.u32 @!p0 $0xF7A, s2;
	p2 =	seq.s32 @!p0 s5, $0x0  }
0x1f: {  	s9 =	smul.u32 $0xF7A, s1;
	s8 =	simm.s32 @!p0 $0x1BF5;
	p2 =	por !p2, p0  }
0x20: {  	[sflag:s8] =	ssyncset.s32 @!p0 $0xFFFFF086;
	s6 =	sadd.s32 @!p0 s3, s7;
	s7 =	simm.s32 @!p0 $0x108  }
0x21: {  	s3 =	sadd.s32 s3, s9;
	s6 =	sadd.s32 @!p0 $0x88, s6;
	s7 =	simm.s32 @p2 $0x1082  }
0x22: {  	[simem:s7], [sflag:s8] =	dma.local @!p0 [hbm:s6], $0xF7A  }
0x23: {  	s9 =	sor.u32 $0xD0000000, s2;
	s6 =	simm.s32 $0x108;
	_ =	swait.ge @!p0 [sflag:s8], $0x0  }
0x24: {  	s3 =	sadd.s32 $0x88, s3;
	s6 =	simm.s32 @!p1 $0x1082;
	[sflag:s4] =	ssyncset.s32 $0xFFFFF086  }
0x25: {  	[simem:s6], [sflag:s4] =	dma.local [hbm:s3], $0xF7A  }
0x26: {  	[smem:$0x3F9A] =	sst s1;
	(tag) =	ssettag s2;
	_ =	strace s9  }
0x27: {  	s1 =	sld [smem:$0x3FAA]  }
0x28: {  	s2 =	sld [smem:$0x3FAB]  }
0x29: {  	s4 =	sld [smem:$0x3FAD]  }
0x2a: {  	p0 =	seq.s32 s5, $0x0;
	s5 =	sld [smem:$0x3FAE]  }
0x2b: {  	s6 =	sld [smem:$0x3FAF]  }
0x2c: {  	s7 =	sld [smem:$0x3FB0]  }
0x2d: {  	s3 =	simm.s32 $0x108;
	s8 =	sld [smem:$0x3FB1]  }
0x2e: {  	s3 =	simm.s32 @!p0 $0x1082;
	s9 =	sld [smem:$0x3FB2]  }
0x2f: {  	lr =	sadd.s32 s0, s3;
	s0 =	sld [smem:$0x3FA9]  }
0x30: {  	s3 =	sld [smem:$0x3FAC]  }
0x31: {  	[smem:$0x3FB5] =	sst s10  }
0x32: {  	s10 =	sld [smem:$0x3FB3];
	_ =	sdelay $0x3  }
0x33: {  	p0 =	seq.s32 s10, $0x1;
	s10 =	sld [smem:$0x3FB5];
	_ =	sdelay $0x3  }
0x34: {  	[smem:$0x3FB5] =	sst s10  }
0x35: {  	s10 =	sld [smem:$0x3FB4];
	_ =	sdelay $0x3  }
0x36: {  	p1 =	seq.s32 s10, $0x1;
	s10 =	sld [smem:$0x3FB5];
	_ =	sdelay $0x3  }
0x37: {  	[smem:$0x3FB5] =	sst s10  }
0x38: {  	s10 =	sld [smem:$0x3FB6]  }
0x39: {  	_ = 	snop;
	(pc) =	sbr.ind lr, $3  }
0x3a: {  	_ = 	snop  }
0x3b: {  	_ = 	snop  }
0x3c: {  	p2 =	seq.s32 s10, $0x1;
	s10 =	sld [smem:$0x3FB5]  }
0x3d: {  	_ =	shalt  }
0x3e: {  	_ =	shalt  }
0x3f: {  	_ =	shalt  }
0x40: {  	_ =	shalt  }
0x41: {  	_ =	shalt  }
0x42: {  	_ =	shalt  }
0x43: {  	_ =	shalt  }
0x44: {  	_ =	shalt  }
0x45: {  	_ =	shalt  }
0x46: {  	_ =	shalt  }
0x47: {  	_ =	shalt  }
0x48: {  	_ =	shalt  }
0x49: {  	_ =	shalt  }
0x4a: {  	_ =	shalt  }
0x4b: {  	_ =	shalt  }
0x4c: {  	_ =	shalt  }
0x4d: {  	_ =	shalt  }
0x4e: {  	_ =	shalt  }
0x4f: {  	_ =	shalt  }
0x50: {  	_ =	shalt  }
0x51: {  	_ =	shalt  }
0x52: {  	_ =	shalt  }
0x53: {  	_ =	shalt  }
0x54: {  	_ =	shalt  }
0x55: {  	_ =	shalt  }
0x56: {  	_ =	shalt  }
0x57: {  	_ =	shalt  }
0x58: {  	_ =	shalt  }
0x59: {  	_ =	shalt  }
0x5a: {  	_ =	shalt  }
0x5b: {  	_ =	shalt  }
0x5c: {  	_ =	shalt  }
0x5d: {  	_ =	shalt  }
0x5e: {  	_ =	shalt  }
0x5f: {  	_ =	shalt  }
0x60: {  	_ =	shalt  }
0x61: {  	_ =	shalt  }
0x62: {  	_ =	shalt  }
0x63: {  	_ =	shalt  }
0x64: {  	_ =	shalt  }
0x65: {  	_ =	shalt  }
0x66: {  	_ =	shalt  }
0x67: {  	_ =	shalt  }
0x68: {  	_ =	shalt  }
0x69: {  	_ =	shalt  }
0x6a: {  	_ =	shalt  }
0x6b: {  	_ =	shalt  }
0x6c: {  	_ =	shalt  }
0x6d: {  	_ =	shalt  }
0x6e: {  	_ =	shalt  }
0x6f: {  	_ =	shalt  }
0x70: {  	_ =	shalt  }
0x71: {  	_ =	shalt  }
0x72: {  	_ =	shalt  }
0x73: {  	_ =	shalt  }
0x74: {  	_ =	shalt  }
0x75: {  	_ =	shalt  }
0x76: {  	_ =	shalt  }
0x77: {  	_ =	shalt  }
0x78: {  	_ =	shalt  }
0x79: {  	_ =	shalt  }
0x7a: {  	_ =	shalt  }
0x7b: {  	_ =	shalt  }
0x7c: {  	_ =	shalt  }
0x7d: {  	_ =	shalt  }
0x7e: {  	_ =	shalt  }
0x7f: {  	_ =	shalt  }
0x80: {  	_ =	shalt  }
0x81: {  	_ =	shalt  }
0x82: {  	_ =	shalt  }
0x83: {  	_ =	shalt  }
0x84: {  	_ =	shalt  }
0x85: {  	_ =	shalt  }
0x86: {  	_ =	shalt  }
0x87: {  	_ =	shalt  }
.Lfunc_end0:
.L_simem_size_0:
called_computation_lowered:
.L_overlay_start_0:
0x88: {  	s2 =	sld [smem:$0x3FD9]  }
0x89: {  	s3 =	sld [smem:$0x3FFE];
	_ =	sdelay $0x1  }
0x8a: {  	s1 =	srdreg.scid  }
0x8b: {  	s0 =	sand.u32 $0x1, s1  }
0x8c: {  	s17 =	sshll.u32 s0, $0xA;
	s2 =	sadd.s32 s3, s2  }
0x8d: {  	s2 =	sadd.s32 s2, s17  }
0x8e: {  	[smem:$0x3FC1] =	sst s2  }
0x8f: {  	_ = 	snop  }
0x90: {  	s2 =	sld [smem:$0x3FD0];
	(tm) =	ssettm $0x1  }
0x91: {  	s18 =	sld [smem:$0x3FFB];
	_ =	sdelay $0x3  }
0x92: {  	_ =	strace s18  }
0x93: {  	s3 =	sld [smem:$0x3FFC];
	_ =	sdelay $0x3  }
0x94: {  	_ =	strace s3  }
0x95: {  	s3 =	sld [smem:$0x3FFD];
	_ =	sdelay $0x3  }
0x96: {  	_ =	strace s3  }
0x97: {  	_ =	strace $0x8FFFFFFF  }
0x98: {  	s19 =	sld [smem:$0x3FDB];
	_ =	sdelay $0x1  }
0x99: {  	s4 =	simm.s32 $_scs_section_size  }
0x9a: {  	s5 =	simm.s32 $_size__tile_overlayer_lowered;
	s6 =	simm.s32 $_tile_overlayer_lowered  }
0x9b: {  	s22 =	simm.s32 $0x1BFF;
	s21 =	sshll.u32 s6, $0x1;
	s3 =	sadd.s32 s4, s19  }
0x9c: {  	s7 =	simm.s32 $0x0;
	s20 =	sshll.u32 s5, $0x1;
	s5 =	sadd.s32 s21, s3  }
0x9d: {  	[timem:s7], [sflag:s22] =	dma.local [hbm:s5], s20  }
0x9e: {  	_ =	swait.ge [sflag:s22], s20  }
0x9f: {  	s4 =	ssub.s32 $0x0, s20;
	[sflag:s22] =	ssyncset.done $0x0  }
0xa0: {  	[sflag:s22] =	ssyncadd.s32 s4;
	_ =	sdelay $0x1  }
0xa1: {  	s23 =	simm.s32 $0x1B8B  }
0xa2: {  	_ =	swait.ge [sflag:s23], $0x1  }
0xa3: {  	[sflag:s23] =	ssyncset.done $0x0  }
0xa4: {  	s25 =	simm.s32 $0x1B8E;
	s24 =	sld [smem:$0x3FFE];
	[sflag:s23] =	ssyncadd.s32 $0xFFFFFFFF  }
0xa5: {  	s26 =	simm.s32 $execute0_lowered;
	[smem:$0x3FD2] =	sst s25  }
0xa6: {  	s5 =	sshll.u32 s26, $0x1;
	_ =	strace $0x80000046;
	[dreg:$0x1] =	wrdreg $0xFFFFFFFF  }
0xa7: {  	s28 =	simm.s32 $_size_execute0_lowered;
	s3 =	sadd.s32 s3, s5;
	[dreg:$0x0] =	wrdreg $0x0  }
0xa8: {  	s5 =	sshll.u32 s28, $0x1;
	[dreg:$0x2] =	wrdreg s3  }
0xa9: {  	[dreg:$0x3] =	wrdreg s5  }
0xaa: {  	[dreg:$0x4] =	wrdreg $0xC0  }
0xab: {  	_ =	task [dreg:s7], $0x5FFFF  }
0xac: {  	[dreg:$0x1] =	wrdreg $0xFFFFFFFF  }
0xad: {  	[dreg:$0x0] =	wrdreg $0x60  }
0xae: {  	[dreg:$0x2] =	wrdreg s24  }
0xaf: {  	[dreg:$0x3] =	wrdreg s2  }
0xb0: {  	[dreg:$0x4] =	wrdreg $0x190000  }
0xb1: {  	[dreg:$0x5] =	wrdreg $0x9  }
0xb2: {  	_ =	task.clear_ibuf [dreg:s7], $0x6FFFF;
	_ =	strace $0x90000046  }
0xb3: {  	s29 =	simm.s32 $0x9;
	_ =	strace $0x80000048  }
0xb4: {  	_ =	swait.ge [sflag:s29], $0x1  }
0xb5: {  	[sflag:s29] =	ssyncadd.s32 $0xFFFFFFFF  }
0xb6: {  	_ =	strace $0x90000048  }
0xb7: {  	_ =	sfence  }
0xb8: {  	s30 =	sld [smem:$0x0];
	_ =	sdelay $0x2  }
0xb9: {  	s31 =	sshll.u32 s1, $0xD;
	s1 =	sshrl.u32 s1, $0x2  }
0xba: {  	s3 =	sand.u32 $0x4000, s31;
	s1 =	sadd.s32 s1, s30  }
0xbb: {  	s0 =	sor.u32 s3, s0;
	s1 =	sshll.u32 s1, $0x11  }
0xbc: {  	s0 =	sor.u32 s1, s0  }
0xbd: {  	s0 =	sadd.s32 $0x8F2B, s0  }
0xbe: {  	[sflag:s0] =	ssyncadd.remote.s32 $0x1  }
0xbf: {  	_ =	sfence.sel $0xFFFF  }
0xc0: {  	[dreg:$0x0] =	wrdreg $0xFFFFFFFF;
	(pc) =	sbr.abs _section_cstart, $3  }
0xc1: {  	[dreg:$0x1] =	wrdreg $0xFFFFFFFF  }
0xc2: {  	_ =	task.clear_ibuf [dreg:s7], $0x2FFFF;
	_ =	strace $0x9FFFFFFF  }
0xc3: {  	(tm) =	ssettm $0x7FFFFFFF  }
tec
execute0_lowered:
.L_overlay_start_1:
0x0: {  	(tag) =	ssettag $0x1  }
0x1: {  	s0 =	rddreg [dreg:$0x0]  }
0x2: {  	s1 =	rddreg [dreg:$0x1]  }
0x3: {  	s2 =	rddreg [dreg:$0x2]  }
0x4: {  	s4 =	srdreg.scid;
	s14 =	stileid.u32  }
0x5: {  	s3 =	simm.s32 $0x0;
	s15 =	simm.s32 $0x2800;
	s16 =	simm.s32 $0x100  }
0x6: {  	s17 =	simm.s32 $0x5000;
	s18 =	simm.s32 $0x7800;
	s20 =	simm.s32 $0xA000  }
0x7: {  	s25 =	simm.s32 $0x1;
	s19 =	simm.s32 $0x16800;
	s21 =	simm.s32 $0x2  }
0x8: {  	s22 =	simm.s32 $0x0;
	s5 =	sand.u32 $0x1, s4;
	s6 =	smul.u32 $0x62C0, s14  }
0x9: {  	[smem:$0x7FF] =	sst s3;
	s4 =	sadd.s32 $0x1000, s0;
	s8 =	sshll.u32 s14, $0x1  }
0xa: {  	p0 =	seq.s32 s14, $0xF;
	s31 =	sshll.u32 s14, $0x6;
	s14 =	simm.s32 $0x3  }
0xb: {  	s7 =	smul.u32 $0x62C00, s5;
	s9 =	ssub.s32 $0x2, s5;
	s5 =	sor.u32 s5, s8  }
0xc: {  	_ =	strace $0x80000047;
	s29 =	sshrl.u32 s9, $0x1;
	s10 =	smul.u32 $0x27, s5  }
0xd: {  	s30 =	smax.u32 s5, $0x1E;
	s5 =	simm.s32 $0x28;
	s13 =	sadd.s32 s6, s2  }
0xe: {  	s7 =	sadd.s32 s6, s7;
	s12 =	ssub.s32 s9, s29;
	s5 =	simm.s32 @!p0 $0x27  }
0xf: {  	s6 =	sshrl.u32 s6, $0x3;
	s13 =	sshrl.u32 s13, $0x3;
	s7 =	sshrl.u32 s7, $0x3  }
0x10: {  	s6 =	sadd.s32 s1, s6;
	s11 =	sadd.s32 s7, s0;
	s7 =	sadd.s32 s10, s30  }
0x11: {  	s1 =	simm.s32 $0x700;
	s7 =	sshll.u32 s7, $0x5;
	s10 =	sadd.s32 $0x20E00, s11  }
0x12: {  	s11 =	smax.u32 s12, $0x1;
	s12 =	sadd.s32 $0xFFFFFFFD, s5;
	s0 =	sadd.s32 s0, s7  }
0x13: {  	s7 =	sor.u32 $0x1C03, s31;
	s8 =	sadd.s32 $0xD040, s0;
	s9 =	sadd.s32 $0x16C80, s0  }
.LBB2_1:
0x14: {  	[spmem:s13], [sflag:s7] =	dma.local [hbm:s6], $0xC58  }
0x15: {  	_ =	swait.ge [sflag:s14], $0xC58  }
0x16: {  	[sflag:s14] =	ssyncset.done $0x0  }
0x17: {  	[sflag:s14] =	ssyncadd.s32 $0xFFFFF3A8  }
0x18: {  	[tilespmem:s3], [sflag:$0x3] =	stream.linear.gather [hbm4b:s8+s3], $0x2800, $0x38;
	[tilespmem:$0x1F2C0] =	vst v63  }
0x19: {  	_ =	swait.ge [sflag:s14], $0x2800  }
0x1a: {  	[sflag:s14] =	ssyncset.done $0x0  }
0x1b: {  	[sflag:s14] =	ssyncadd.s32 $0xFFFFD800  }
0x1c: {  	[tilespmem:s15], [sflag:$0x3] =	stream.linear.gather [hbm4b:s9+s3], $0x2800, $0x38;
	[tilespmem:$0x1F2C0] =	vst v63  }
0x1d: {  	_ =	swait.ge [sflag:s14], $0x2800  }
0x1e: {  	[sflag:s14] =	ssyncset.done $0x0  }
0x1f: {  	[sflag:s14] =	ssyncadd.s32 $0xFFFFD800  }
0x20: {  	[bflag:$0x0] =	sbarrier.arrive $0xFFFF  }
0x21: {  	[tilespmem:s17], [sflag:$0x1] =	stream.indirect.gather [hbm4b:s4+s16], $0x28, s3, s16, $0xb8;
	[tilespmem:$0x1F2C0] =	vst v63  }
0x22: {  	_ = 	snop  }
0x23: {  	[tilespmem:s18], [sflag:$0x1] =	stream.indirect.gather [hbm4b:s4+s16], $0x28, s16, s16, $0xb8;
	[tilespmem:$0x1F2C0] =	vst v63  }
0x24: {  	s0 =	simm.s32 $0x200  }
0x25: {  	[tilespmem:s20], [sflag:$0x1] =	stream.indirect.gather [hbm4b:s4+s16], $0x28, s0, s16, $0xb8;
	[tilespmem:$0x1F2C0] =	vst v63  }
0x26: {  	s24 =	simm.s32 $0x300;
	s23 =	simm.s32 $0xC800  }
0x27: {  	[tilespmem:s23], [sflag:$0x1] =	stream.indirect.gather [hbm4b:s4+s16], $0x28, s24, s16, $0xb8;
	[tilespmem:$0x1F2C0] =	vst v63  }
0x28: {  	s26 =	simm.s32 $0x400;
	s31 =	simm.s32 $0xF000  }
0x29: {  	[tilespmem:s31], [sflag:$0x1] =	stream.indirect.gather [hbm4b:s4+s16], $0x28, s26, s16, $0xb8;
	[tilespmem:$0x1F2C0] =	vst v63  }
0x2a: {  	_ =	swait.ge [sflag:s25], $0x2800  }
0x2b: {  	[sflag:s25] =	ssyncset.done $0x0  }
0x2c: {  	[sflag:s25] =	ssyncadd.s32 $0xFFFFD800  }
0x2d: {  	[spmem:s2] =	stream.indirect.scatter.add.f32 [tilespmem:s17], [sflag:$0x2], $0x28, s15, s16, $0xb8;
	[tilespmem:$0x1F2C0] =	vst v63  }
0x2e: {  	s24 =	simm.s32 $0x500;
	s26 =	simm.s32 $0x11800  }
0x2f: {  	[tilespmem:s26], [sflag:$0x1] =	stream.indirect.gather [hbm4b:s4+s16], $0x28, s24, s16, $0xb8;
	[tilespmem:$0x1F2C0] =	vst v63  }
0x30: {  	_ =	swait.ge [sflag:s25], $0x2800  }
0x31: {  	[sflag:s25] =	ssyncset.done $0x0  }
0x32: {  	s31 =	simm.s32 $0x2900;
	[sflag:s25] =	ssyncadd.s32 $0xFFFFD800  }
0x33: {  	[spmem:s2] =	stream.indirect.scatter.add.f32 [tilespmem:s18], [sflag:$0x2], $0x28, s31, s16, $0xb8;
	[tilespmem:$0x1F2C0] =	vst v63  }
0x34: {  	s23 =	simm.s32 $0x600;
	s24 =	simm.s32 $0x14000  }
0x35: {  	[tilespmem:s24], [sflag:$0x1] =	stream.indirect.gather [hbm4b:s4+s16], $0x28, s23, s16, $0xb8;
	[tilespmem:$0x1F2C0] =	vst v63  }
0x36: {  	s29 =	simm.s32 $0x8;
	_ =	swait.ge [sflag:s25], $0x2800  }
0x37: {  	p0 =	sle.u32 s5, $0x8;
	s31 =	simm.s32 $0x3;
	[sflag:s25] =	ssyncset.done $0x0  }
0x38: {  	s26 =	simm.s32 $0x2A00;
	s24 =	sand.u32 $0x7, s31;
	[sflag:s25] =	ssyncadd.s32 $0xFFFFD800  }
0x39: {  	[spmem:s2] =	stream.indirect.scatter.add.f32 [tilespmem:s20], [sflag:$0x2], $0x28, s26, s16, $0xb8;
	[tilespmem:$0x1F2C0] =	vst v63  }
0x3a: {  	s29 =	sand.u32 @!p0 $0x7, s29;
	s28 =	smul.u32 $0xA000, s24  }
0x3b: {  	[tilespmem:s19], [sflag:$0x1] =	stream.indirect.gather [hbm4b:s4+s16], $0x28, s1, s16, $0xb8;
	[tilespmem:$0x1F2C0] =	vst v63  }
0x3c: {  	p1 =	sne.s32 s12, $0x1;
	s29 =	smul.u32 @!p0 $0xA000, s29;
	_ =	swait.ge [sflag:s25], $0x2800  }
0x3d: {  	s28 =	sshrl.u32 s28, $0x2;
	s26 =	simm.s32 $0x2B00;
	[sflag:s25] =	ssyncset.done $0x0  }
.Ltmp0:
0x3e: {  	s28 =	sadd.s32 $0x5000, s28;
	[sflag:s25] =	ssyncadd.s32 $0xFFFFD800;
	(pc) =	sbr.rel @!p1 .LBB2_3-.Ltmp0, $4  }
0x3f: {  	[spmem:s2] =	stream.indirect.scatter.add.f32 [tilespmem:s28], [sflag:$0x2], $0x28, s26, s16, $0xb8;
	[tilespmem:$0x1F2C0] =	vst v63  }
0x40: {  	s30 =	sshrl.u32 @!p0 s29, $0x2;
	s29 =	simm.s32 @!p0 $0x100;
	_ =	swait.ge [sflag:s21], $0x2800  }
0x41: {  	s23 =	simm.s32 $0x800;
	s24 =	simm.s32 $0x1;
	[sflag:s21] =	ssyncset.done $0x0  }
0x42: {  	s26 =	simm.s32 $0x900;
	s28 =	simm.s32 $0x2C00;
	[sflag:s21] =	ssyncadd.s32 $0xFFFFD800  }
.LBB2_2:
0x43: {  	s31 =	sadd.s32 $0x3, s24  }
0x44: {  	s30 =	sadd.s32 @!p0 $0x5000, s30;
	s0 =	smov.u32 s24;
	s24 =	sadd.s32 $0x1, s24  }
0x45: {  	[tilespmem:s30], [sflag:$0x1] =	stream.indirect.gather @!p0 [hbm4b:s4+s29], $0x28, s23, s29, $0xb8;
	[tilespmem:$0x1F2C0] =	vst v63  }
0x46: {  	s29 =	sand.u32 $0x7, s31;
	p1 =	sne.s32 s12, s24;
	s23 =	smov.u32 s26  }
0x47: {  	s0 =	sadd.s32 $0x8, s0;
	s29 =	smul.u32 $0xA000, s29  }
0x48: {  	p0 =	sge.u32 s0, s5;
	_ =	swait.ge [sflag:s25], $0x2800  }
0x49: {  	s0 =	sand.u32 @!p0 $0x7, s0;
	s29 =	sshrl.u32 s29, $0x2;
	[sflag:s25] =	ssyncset.done $0x0  }
.Ltmp1:
0x4a: {  	s29 =	sadd.s32 $0x5000, s29;
	[sflag:s25] =	ssyncadd.s32 $0xFFFFD800;
	(pc) =	sbr.rel @p1 .LBB2_2-.Ltmp1, $4  }
0x4b: {  	[spmem:s2] =	stream.indirect.scatter.add.f32 [tilespmem:s29], [sflag:$0x2], $0x28, s28, s16, $0xb8;
	[tilespmem:$0x1F2C0] =	vst v63  }
0x4c: {  	s0 =	smul.u32 @!p0 $0xA000, s0;
	_ =	swait.ge [sflag:s21], $0x2800  }
0x4d: {  	s26 =	sadd.s32 $0x100, s26;
	s28 =	sadd.s32 $0x100, s28;
	[sflag:s21] =	ssyncset.done $0x0  }
0x4e: {  	s30 =	sshrl.u32 @!p0 s0, $0x2;
	s29 =	simm.s32 @!p0 $0x100;
	[sflag:s21] =	ssyncadd.s32 $0xFFFFD800  }
.LBB2_3:
0x4f: {  	s0 =	sadd.s32 @!p0 $0x5000, s30  }
0x50: {  	[tilespmem:s0], [sflag:$0x1] =	stream.indirect.gather @!p0 [hbm4b:s4+s29], $0x28, s23, s29, $0xb8;
	[tilespmem:$0x1F2C0] =	vst v63  }
0x51: {  	_ =	swait.ge [sflag:s21], $0x2800  }
0x52: {  	[sflag:s21] =	ssyncset.done $0x0  }
0x53: {  	[sflag:s21] =	ssyncadd.s32 $0xFFFFD800  }
0x54: {  	_ =	swait.ge [sflag:s21], $0x2800  }
0x55: {  	[sflag:s21] =	ssyncset.done $0x0  }
0x56: {  	[sflag:s21] =	ssyncadd.s32 $0xFFFFD800  }
0x57: {  	_ =	swait.ge [sflag:s21], $0x2800  }
0x58: {  	s22 =	sadd.s32 $0x1, s22;
	[sflag:s21] =	ssyncset.done $0x0  }
0x59: {  	p0 =	sne.s32 s22, s11;
	[sflag:s21] =	ssyncadd.s32 $0xFFFFD800  }
.Ltmp2:
0x5a: {  	[bflag:$0x0] =	sbarrier.arrive $0xFFFF;
	(pc) =	sbr.rel @p0 .LBB2_1-.Ltmp2, $4  }
0x5b: {  	[hbm:s10], [sflag:s7] =	dma.local [spmem:s13], $0xC58  }
0x5c: {  	_ =	swait.ge [sflag:s14], $0xC58  }
0x5d: {  	[sflag:s14] =	ssyncset.done $0x0  }
0x5e: {  	[sflag:s14] =	ssyncadd.s32 $0xFFFFF3A8  }
0x5f: {  	_ =	sfence.sel $0x180000  }
0x60: {  	[bflag:$0x0] =	sbarrier.arrive $0xFFFF  }
0x61: {  	_ =	strace $0x90000047  }
0x62: {  	s0 =	stileid.u32;
	[bflag:$0x2] =	sbarrier.arrive $0xFFFF  }
0x63: {  	p0 =	sne.s32 s0, $0x0;
	s0 =	rddreg [dreg:$0x3]  }
0x64: {  	s0 =	sadd.s32 @!p0 $0x100000, s0  }
0x65: {  	[sflag:s0] =	ssyncadd.tile.s32 @!p0 $0x1;
	_ =	shalt  }
.Lfunc_end2:
_tile_overlayer_lowered:
.L_overlay_start_2:
0x66: {  	(tag) =	ssettag $0x2  }
0x67: {  	s0 =	rddreg [dreg:$0x0];
	s2 =	stileid.u32  }
0x68: {  	s1 =	rddreg [dreg:$0x1];
	p0 =	sne.s32 s2, $0x0  }
0x69: {  	s3 =	rddreg [dreg:$0x2];
	[bflag:$0x3] =	sbarrier.arrive $0xFFFF;
	s2 =	simm.s32 @!p0 $0x1C03  }
0x6a: {  	[timem:s3], [sflag:s2] =	dma.local @!p0 [hbm:s0], s1  }
0x6b: {  	s0 =	simm.s32 @!p0 $0x3  }
0x6c: {  	_ =	swait.ge @!p0 [sflag:s0], s1  }
0x6d: {  	s1 =	ssub.s32 @!p0 $0x0, s1;
	[sflag:s0] =	ssyncset.done @!p0 $0x0  }
0x6e: {  	[sflag:s0] =	ssyncadd.s32 @!p0 s1  }
0x6f: {  	[bflag:$0x3] =	sbarrier.arrive $0xFFFF  }
0x70: {  	_ =	shalt  }

</sc_bundles>
